<compile_context>
chip_gen: v7x
topology: tpu7x:2x2x1
jax: 0.10.2.dev20260603
libtpu: 0.0.44.dev20260713+nightly
codegen_flags: <defaults>
</compile_context>

<pallas_src>
import functools

import jax
import jax.numpy as jnp
from jax import lax
from jax.experimental import pallas as pl
from jax.experimental.pallas import tpu as pltpu
from jax.experimental.pallas import tpu_sc as plsc

NC = 2
NS = 16
NW = NC * NS
CHUNK = 128


NSLOT = 4
NGBUF = 2


@functools.lru_cache(maxsize=None)
def _sc_partial_sums(n_nodes: int, d: int, n_chunks: int):
    acc_rows = -(-(n_nodes + 1) // (NS * 128)) * (NS * 128)
    zero_chunks_per_tile = acc_rows // NS // 128
    out_rows_per_tile = acc_rows // NS
    assert d % 16 == 0 and n_chunks % NSLOT == 0

    mesh = plsc.VectorSubcoreMesh(core_axis_name="c", subcore_axis_name="s")

    @functools.partial(
        pl.kernel,
        out_type=jax.ShapeDtypeStruct((NC, acc_rows, d), jnp.float32),
        mesh=mesh,
        scratch_types=[
            pltpu.VMEM((NSLOT, 2, CHUNK), jnp.int32),
            pltpu.VMEM((NGBUF, CHUNK, d), jnp.float32),
            pltpu.VMEM_SHARED((acc_rows, d), jnp.float32),
            [pltpu.SemaphoreType.DMA] * NSLOT,
            [pltpu.SemaphoreType.DMA] * NGBUF,
            [pltpu.SemaphoreType.DMA] * NGBUF,
            pltpu.SemaphoreType.DMA,
        ],
    )
    def sc_kernel(x_hbm, eidx_hbm, out_hbm, islots, gbufs, acc,
                  isems, gsems, gsems2, ssem):
        cid = lax.axis_index("c")
        sid = lax.axis_index("s")
        start = (cid * NS + sid) * n_chunks

        zbuf = gbufs.at[0]
        def zero_body(i, carry):
            for jj in range(d // 16):
                zbuf[i, pl.ds(jj * 16, 16)] = jnp.zeros((16,), jnp.float32)
            return carry
        lax.fori_loop(0, CHUNK, zero_body, 0)
        for k in range(zero_chunks_per_tile):
            pltpu.sync_copy(
                zbuf, acc.at[pl.ds((sid * zero_chunks_per_tile + k) * 128, 128)]
            )
        plsc.subcore_barrier()

        def idx_copy(j, s):
            return pltpu.make_async_copy(
                eidx_hbm.at[start + j], islots.at[s], isems[s])

        H = CHUNK // 2

        def gather_a(s, b):
            return pltpu.make_async_copy(
                x_hbm.at[islots.at[s, 1, pl.ds(0, H)]],
                gbufs.at[b, pl.ds(0, H)], gsems[b])

        def gather_b(s, b):
            return pltpu.make_async_copy(
                x_hbm.at[islots.at[s, 1, pl.ds(H, H)]],
                gbufs.at[b, pl.ds(H, H)], gsems2[b])

        for s in range(NSLOT - 1):
            idx_copy(s, s).start()
        idx_copy(0, 0).wait()
        gather_a(0, 0).start()
        gather_b(0, 0).start()
        gather_a(0, 0).wait()
        gather_b(0, 0).wait()

        def body(t, carry):
            for u in range(NSLOT):
                j = t * NSLOT + u
                s, s1, s3 = u, (u + 1) % NSLOT, (u + 3) % NSLOT
                b, b1 = u % NGBUF, (u + 1) % NGBUF
                idx_copy(j + 1, s1).wait()
                gather_a(s1, b1).start()
                gather_b(s1, b1).start()
                sd = pltpu.async_copy(
                    gbufs.at[b], acc.at[islots.at[s, 0]], ssem, add=True)
                idx_copy(j + 3, s3).start()
                sd.wait()
                gather_a(s1, b1).wait()
                gather_b(s1, b1).wait()
            return carry
        lax.fori_loop(0, n_chunks // NSLOT, body, 0)
        idx_copy(n_chunks + 1, (n_chunks + 1) % NSLOT).wait()
        idx_copy(n_chunks + 2, (n_chunks + 2) % NSLOT).wait()
        plsc.subcore_barrier()

        pltpu.sync_copy(
            acc.at[pl.ds(sid * out_rows_per_tile, out_rows_per_tile)],
            out_hbm.at[cid, pl.ds(sid * out_rows_per_tile, out_rows_per_tile)],
        )

    return sc_kernel


@functools.lru_cache(maxsize=None)
def _combine(n_nodes: int, d: int):
    blk = 1000
    assert n_nodes % blk == 0

    def body(x_ref, a_ref, b_ref, o_ref):
        o_ref[:, :d] = x_ref[...]
        o_ref[:, d:] = a_ref[0] + b_ref[0]

    def run(x, partial):
        return pl.pallas_call(
            body,
            grid=(n_nodes // blk,),
            in_specs=[
                pl.BlockSpec((blk, d), lambda i: (i, 0)),
                pl.BlockSpec((1, blk, d), lambda i: (0, i, 0)),
                pl.BlockSpec((1, blk, d), lambda i: (1, i, 0)),
            ],
            out_specs=pl.BlockSpec((blk, 2 * d), lambda i: (i, 0)),
            out_shape=jax.ShapeDtypeStruct((n_nodes, 2 * d), jnp.float32),
        )(x, partial, partial)

    return run


def kernel(x, edge_index):
    n_nodes, d = x.shape
    n_edges = edge_index.shape[1]
    ei = edge_index.astype(jnp.int32)

    real_chunks = -(-n_edges // CHUNK)
    n_chunks = -(-(-(-real_chunks // NW)) // NSLOT) * NSLOT
    rows_hbm = NW * n_chunks + 2 * NSLOT
    pad_chunks = rows_hbm - real_chunks

    whole = (n_edges // CHUNK) * CHUNK
    parts = [ei[:, :whole].reshape(2, whole // CHUNK, CHUNK)]
    rem = n_edges - whole
    if rem:
        pad_piece = jnp.stack(
            [jnp.full((CHUNK - rem,), n_nodes, jnp.int32),
             jnp.zeros((CHUNK - rem,), jnp.int32)])
        tail = jnp.concatenate([ei[:, whole:], pad_piece], axis=1)
        parts.append(tail.reshape(2, 1, CHUNK))
    if pad_chunks:
        acc_rows = -(-(n_nodes + 1) // (NS * 128)) * (NS * 128)
        ar = jnp.arange(pad_chunks * CHUNK, dtype=jnp.int32)
        trash = jnp.stack([
            (n_nodes + ar % (acc_rows - n_nodes)).reshape(pad_chunks, CHUNK),
            (ar % n_nodes).reshape(pad_chunks, CHUNK)])
        parts.append(trash)
    eidx4 = jnp.swapaxes(jnp.concatenate(parts, axis=1), 0, 1)

    partial = _sc_partial_sums(n_nodes, d, n_chunks)(x, eidx4)
    return _combine(n_nodes, d)(x, partial)

# --- scband reference (transcript-rebuilt; emitter-appended) ---
"""Pipeline reference for scband-sum-node-label-aggregation-5153960755615 (READ-ONLY COPY).

The authoritative reference and input builder live on the scoring server;
editing this copy changes nothing except your own understanding.
"""

import jax, jax.numpy as jnp
import numpy as np


def setup_inputs(seed: int = 0) -> dict:
    key = jax.random.key(seed)
    k1, k2 = jax.random.split(key)
    n_nodes = 10000
    n_edges = 320000
    d_feat = 128
    x = jax.random.normal(k1, (n_nodes, d_feat), dtype=jnp.float32)
    edge_index = jax.random.randint(k2, (2, n_edges), 0, n_nodes, dtype=jnp.int64)
    return {"x": x, "edge_index": edge_index}


def reference(x, edge_index):
    # SparseTensor.from_edge_index(edge_index) builds adj with row=edge_index[0], col=edge_index[1].
    # adj.matmul(x)[i] = sum over j with (i, j) an edge of x[j]
    row = edge_index[0]
    col = edge_index[1]
    gathered = jnp.take(x, col, axis=0)
    x_neighbors_sum = jax.ops.segment_sum(gathered, row, num_segments=x.shape[0])
    node_labels = jnp.concatenate((x, x_neighbors_sum), axis=-1)
    return node_labels

if __name__ == "__main__":
    import jax
    _d = setup_inputs()
    print(jax.jit(kernel)(*tuple(_d.values())))

</pallas_src>

<mosaic_0001>
#map = affine_map<(d0, d1) -> (0, 0)>
#map1 = affine_map<(d0, d1) -> (0, 0, 0)>
module attributes {stable_mosaic.version = 14 : i64} {
  func.func @sc_kernel(%arg0: i32, %arg1: i32, %arg2: memref<10000x128xf32, #tpu.memory_space<hbm>>, %arg3: memref<2568x2x128xi32, #tpu.memory_space<hbm>>, %arg4: memref<2x10240x128xf32, #tpu.memory_space<hbm>>, %arg5: memref<4x2x128xi32, #tpu.memory_space<vmem>>, %arg6: memref<2x128x128xf32, #tpu.memory_space<vmem>>, %arg7: memref<10240x128xf32, #tpu.memory_space<vmem_shared>>, %arg8: memref<!tpu.dma_semaphore, #tpu.memory_space<semaphore_mem>>, %arg9: memref<!tpu.dma_semaphore, #tpu.memory_space<semaphore_mem>>, %arg10: memref<!tpu.dma_semaphore, #tpu.memory_space<semaphore_mem>>, %arg11: memref<!tpu.dma_semaphore, #tpu.memory_space<semaphore_mem>>, %arg12: memref<!tpu.dma_semaphore, #tpu.memory_space<semaphore_mem>>, %arg13: memref<!tpu.dma_semaphore, #tpu.memory_space<semaphore_mem>>, %arg14: memref<!tpu.dma_semaphore, #tpu.memory_space<semaphore_mem>>, %arg15: memref<!tpu.dma_semaphore, #tpu.memory_space<semaphore_mem>>, %arg16: memref<!tpu.dma_semaphore, #tpu.memory_space<semaphore_mem>>) attributes {dimension_semantics = [#tpu.dimension_semantics<core_parallel>, #tpu.dimension_semantics<subcore_parallel>], iteration_bounds = array<i64: 2, 16>, scalar_prefetch = 0 : i64, scratch_operands = 12 : i64, tpu.core_type = #tpu.core_type<sc_vector_subcore>, window_params = [{transform_indices = #map}, {transform_indices = #map1}, {transform_indices = #map1}]} {
    %mul3A = arith.constant 16 : i32
    %mul3A_0 = arith.muli %arg0, %mul3A : i32
    %add3A = arith.addi %mul3A_0, %arg1 : i32
    %mul3A_1 = arith.constant 80 : i32
    %mul3A_2 = arith.muli %add3A, %mul3A_1 : i32
    %scan3A = arith.constant 0 : i32
    %scan3A_3 = arith.constant 0 : i32
    %scan3A_4 = arith.constant 0 : i32
    %scan3A_5 = arith.constant 128 : i32
    %scan3A_6 = arith.addi %scan3A_4, %scan3A_5 : i32
    %scan3A_7 = arith.constant 1 : i32
    scf.for %scan3A_218 = %scan3A_4 to %scan3A_6 step %scan3A_7  : i32 {
      %broadcast_in_dim3A = arith.constant 0.000000e+00 : f32
      %broadcast_in_dim3A_219 = vector.broadcast %broadcast_in_dim3A : f32 to vector<16xf32>
      %swap3A = arith.constant 0 : i32
      %swap3A_220 = arith.constant 0 : i32
      %swap3A_221 = tpu.memref_slice %arg6[%scan3A_3, %swap3A, %swap3A_220] : memref<2x128x128xf32, #tpu.memory_space<vmem>> -> memref<1x128x128xf32, #tpu.memory_space<vmem>>
      %swap3A_222 = tpu.memref_squeeze %swap3A_221 : memref<1x128x128xf32, #tpu.memory_space<vmem>> -> memref<128x128xf32, #tpu.memory_space<vmem>>
      %swap3A_223 = arith.index_cast %scan3A_218 : i32 to index
      %swap3A_224 = arith.constant 0 : index
      %swap3A_225 = tpu.vector_load %swap3A_222[%swap3A_223, %swap3A_224] {strides = array<i32>} : memref<128x128xf32, #tpu.memory_space<vmem>>, vector<1x16xf32>,
      %swap3A_226 = vector.shape_cast %swap3A_225 : vector<1x16xf32> to vector<16xf32>
      %swap3A_227 = vector.shape_cast %broadcast_in_dim3A_219 : vector<16xf32> to vector<1x16xf32>
      tpu.vector_store %swap3A_222[%swap3A_223, %swap3A_224], %swap3A_227 {strides = array<i32>} : memref<128x128xf32, #tpu.memory_space<vmem>>, vector<1x16xf32>,
      %broadcast_in_dim3A_228 = arith.constant 0.000000e+00 : f32
      %broadcast_in_dim3A_229 = vector.broadcast %broadcast_in_dim3A_228 : f32 to vector<16xf32>
      %swap3A_230 = arith.constant 0 : i32
      %swap3A_231 = arith.constant 0 : i32
      %swap3A_232 = tpu.memref_slice %arg6[%scan3A_3, %swap3A_230, %swap3A_231] : memref<2x128x128xf32, #tpu.memory_space<vmem>> -> memref<1x128x128xf32, #tpu.memory_space<vmem>>
      %swap3A_233 = tpu.memref_squeeze %swap3A_232 : memref<1x128x128xf32, #tpu.memory_space<vmem>> -> memref<128x128xf32, #tpu.memory_space<vmem>>
      %swap3A_234 = arith.index_cast %scan3A_218 : i32 to index
      %swap3A_235 = arith.constant 16 : index
      %swap3A_236 = tpu.vector_load %swap3A_233[%swap3A_234, %swap3A_235] {strides = array<i32>} : memref<128x128xf32, #tpu.memory_space<vmem>>, vector<1x16xf32>,
      %swap3A_237 = vector.shape_cast %swap3A_236 : vector<1x16xf32> to vector<16xf32>
      %swap3A_238 = vector.shape_cast %broadcast_in_dim3A_229 : vector<16xf32> to vector<1x16xf32>
      tpu.vector_store %swap3A_233[%swap3A_234, %swap3A_235], %swap3A_238 {strides = array<i32>} : memref<128x128xf32, #tpu.memory_space<vmem>>, vector<1x16xf32>,
      %broadcast_in_dim3A_239 = arith.constant 0.000000e+00 : f32
      %broadcast_in_dim3A_240 = vector.broadcast %broadcast_in_dim3A_239 : f32 to vector<16xf32>
      %swap3A_241 = arith.constant 0 : i32
      %swap3A_242 = arith.constant 0 : i32
      %swap3A_243 = tpu.memref_slice %arg6[%scan3A_3, %swap3A_241, %swap3A_242] : memref<2x128x128xf32, #tpu.memory_space<vmem>> -> memref<1x128x128xf32, #tpu.memory_space<vmem>>
      %swap3A_244 = tpu.memref_squeeze %swap3A_243 : memref<1x128x128xf32, #tpu.memory_space<vmem>> -> memref<128x128xf32, #tpu.memory_space<vmem>>
      %swap3A_245 = arith.index_cast %scan3A_218 : i32 to index
      %swap3A_246 = arith.constant 32 : index
      %swap3A_247 = tpu.vector_load %swap3A_244[%swap3A_245, %swap3A_246] {strides = array<i32>} : memref<128x128xf32, #tpu.memory_space<vmem>>, vector<1x16xf32>,
      %swap3A_248 = vector.shape_cast %swap3A_247 : vector<1x16xf32> to vector<16xf32>
      %swap3A_249 = vector.shape_cast %broadcast_in_dim3A_240 : vector<16xf32> to vector<1x16xf32>
      tpu.vector_store %swap3A_244[%swap3A_245, %swap3A_246], %swap3A_249 {strides = array<i32>} : memref<128x128xf32, #tpu.memory_space<vmem>>, vector<1x16xf32>,
      %broadcast_in_dim3A_250 = arith.constant 0.000000e+00 : f32
      %broadcast_in_dim3A_251 = vector.broadcast %broadcast_in_dim3A_250 : f32 to vector<16xf32>
      %swap3A_252 = arith.constant 0 : i32
      %swap3A_253 = arith.constant 0 : i32
      %swap3A_254 = tpu.memref_slice %arg6[%scan3A_3, %swap3A_252, %swap3A_253] : memref<2x128x128xf32, #tpu.memory_space<vmem>> -> memref<1x128x128xf32, #tpu.memory_space<vmem>>
      %swap3A_255 = tpu.memref_squeeze %swap3A_254 : memref<1x128x128xf32, #tpu.memory_space<vmem>> -> memref<128x128xf32, #tpu.memory_space<vmem>>
      %swap3A_256 = arith.index_cast %scan3A_218 : i32 to index
      %swap3A_257 = arith.constant 48 : index
      %swap3A_258 = tpu.vector_load %swap3A_255[%swap3A_256, %swap3A_257] {strides = array<i32>} : memref<128x128xf32, #tpu.memory_space<vmem>>, vector<1x16xf32>,
      %swap3A_259 = vector.shape_cast %swap3A_258 : vector<1x16xf32> to vector<16xf32>
      %swap3A_260 = vector.shape_cast %broadcast_in_dim3A_251 : vector<16xf32> to vector<1x16xf32>
      tpu.vector_store %swap3A_255[%swap3A_256, %swap3A_257], %swap3A_260 {strides = array<i32>} : memref<128x128xf32, #tpu.memory_space<vmem>>, vector<1x16xf32>,
      %broadcast_in_dim3A_261 = arith.constant 0.000000e+00 : f32
      %broadcast_in_dim3A_262 = vector.broadcast %broadcast_in_dim3A_261 : f32 to vector<16xf32>
      %swap3A_263 = arith.constant 0 : i32
      %swap3A_264 = arith.constant 0 : i32
      %swap3A_265 = tpu.memref_slice %arg6[%scan3A_3, %swap3A_263, %swap3A_264] : memref<2x128x128xf32, #tpu.memory_space<vmem>> -> memref<1x128x128xf32, #tpu.memory_space<vmem>>
      %swap3A_266 = tpu.memref_squeeze %swap3A_265 : memref<1x128x128xf32, #tpu.memory_space<vmem>> -> memref<128x128xf32, #tpu.memory_space<vmem>>
      %swap3A_267 = arith.index_cast %scan3A_218 : i32 to index
      %swap3A_268 = arith.constant 64 : index
      %swap3A_269 = tpu.vector_load %swap3A_266[%swap3A_267, %swap3A_268] {strides = array<i32>} : memref<128x128xf32, #tpu.memory_space<vmem>>, vector<1x16xf32>,
      %swap3A_270 = vector.shape_cast %swap3A_269 : vector<1x16xf32> to vector<16xf32>
      %swap3A_271 = vector.shape_cast %broadcast_in_dim3A_262 : vector<16xf32> to vector<1x16xf32>
      tpu.vector_store %swap3A_266[%swap3A_267, %swap3A_268], %swap3A_271 {strides = array<i32>} : memref<128x128xf32, #tpu.memory_space<vmem>>, vector<1x16xf32>,
      %broadcast_in_dim3A_272 = arith.constant 0.000000e+00 : f32
      %broadcast_in_dim3A_273 = vector.broadcast %broadcast_in_dim3A_272 : f32 to vector<16xf32>
      %swap3A_274 = arith.constant 0 : i32
      %swap3A_275 = arith.constant 0 : i32
      %swap3A_276 = tpu.memref_slice %arg6[%scan3A_3, %swap3A_274, %swap3A_275] : memref<2x128x128xf32, #tpu.memory_space<vmem>> -> memref<1x128x128xf32, #tpu.memory_space<vmem>>
      %swap3A_277 = tpu.memref_squeeze %swap3A_276 : memref<1x128x128xf32, #tpu.memory_space<vmem>> -> memref<128x128xf32, #tpu.memory_space<vmem>>
      %swap3A_278 = arith.index_cast %scan3A_218 : i32 to index
      %swap3A_279 = arith.constant 80 : index
      %swap3A_280 = tpu.vector_load %swap3A_277[%swap3A_278, %swap3A_279] {strides = array<i32>} : memref<128x128xf32, #tpu.memory_space<vmem>>, vector<1x16xf32>,
      %swap3A_281 = vector.shape_cast %swap3A_280 : vector<1x16xf32> to vector<16xf32>
      %swap3A_282 = vector.shape_cast %broadcast_in_dim3A_273 : vector<16xf32> to vector<1x16xf32>
      tpu.vector_store %swap3A_277[%swap3A_278, %swap3A_279], %swap3A_282 {strides = array<i32>} : memref<128x128xf32, #tpu.memory_space<vmem>>, vector<1x16xf32>,
      %broadcast_in_dim3A_283 = arith.constant 0.000000e+00 : f32
      %broadcast_in_dim3A_284 = vector.broadcast %broadcast_in_dim3A_283 : f32 to vector<16xf32>
      %swap3A_285 = arith.constant 0 : i32
      %swap3A_286 = arith.constant 0 : i32
      %swap3A_287 = tpu.memref_slice %arg6[%scan3A_3, %swap3A_285, %swap3A_286] : memref<2x128x128xf32, #tpu.memory_space<vmem>> -> memref<1x128x128xf32, #tpu.memory_space<vmem>>
      %swap3A_288 = tpu.memref_squeeze %swap3A_287 : memref<1x128x128xf32, #tpu.memory_space<vmem>> -> memref<128x128xf32, #tpu.memory_space<vmem>>
      %swap3A_289 = arith.index_cast %scan3A_218 : i32 to index
      %swap3A_290 = arith.constant 96 : index
      %swap3A_291 = tpu.vector_load %swap3A_288[%swap3A_289, %swap3A_290] {strides = array<i32>} : memref<128x128xf32, #tpu.memory_space<vmem>>, vector<1x16xf32>,
      %swap3A_292 = vector.shape_cast %swap3A_291 : vector<1x16xf32> to vector<16xf32>
      %swap3A_293 = vector.shape_cast %broadcast_in_dim3A_284 : vector<16xf32> to vector<1x16xf32>
      tpu.vector_store %swap3A_288[%swap3A_289, %swap3A_290], %swap3A_293 {strides = array<i32>} : memref<128x128xf32, #tpu.memory_space<vmem>>, vector<1x16xf32>,
      %broadcast_in_dim3A_294 = arith.constant 0.000000e+00 : f32
      %broadcast_in_dim3A_295 = vector.broadcast %broadcast_in_dim3A_294 : f32 to vector<16xf32>
      %swap3A_296 = arith.constant 0 : i32
      %swap3A_297 = arith.constant 0 : i32
      %swap3A_298 = tpu.memref_slice %arg6[%scan3A_3, %swap3A_296, %swap3A_297] : memref<2x128x128xf32, #tpu.memory_space<vmem>> -> memref<1x128x128xf32, #tpu.memory_space<vmem>>
      %swap3A_299 = tpu.memref_squeeze %swap3A_298 : memref<1x128x128xf32, #tpu.memory_space<vmem>> -> memref<128x128xf32, #tpu.memory_space<vmem>>
      %swap3A_300 = arith.index_cast %scan3A_218 : i32 to index
      %swap3A_301 = arith.constant 112 : index
      %swap3A_302 = tpu.vector_load %swap3A_299[%swap3A_300, %swap3A_301] {strides = array<i32>} : memref<128x128xf32, #tpu.memory_space<vmem>>, vector<1x16xf32>,
      %swap3A_303 = vector.shape_cast %swap3A_302 : vector<1x16xf32> to vector<16xf32>
      %swap3A_304 = vector.shape_cast %broadcast_in_dim3A_295 : vector<16xf32> to vector<1x16xf32>
      tpu.vector_store %swap3A_299[%swap3A_300, %swap3A_301], %swap3A_304 {strides = array<i32>} : memref<128x128xf32, #tpu.memory_space<vmem>>, vector<1x16xf32>,
    }
    %scan3A_8 = arith.constant 128 : i32
    %mul3A_9 = arith.constant 5 : i32
    %mul3A_10 = arith.muli %arg1, %mul3A_9 : i32
    %add3A_11 = arith.constant 0 : i32
    %add3A_12 = arith.addi %mul3A_10, %add3A_11 : i32
    %mul3A_13 = arith.constant 128 : i32
    %mul3A_14 = arith.muli %add3A_12, %mul3A_13 : i32
    %run_scoped3A = arith.constant 0 : i32
    "tpu.region"() ({
      %run_scoped3A_218 = tpu.sem_alloc : memref<!tpu.dma_semaphore, #tpu.memory_space<semaphore_mem>>
      %dma_start3A_219 = arith.constant 0 : i32
      %dma_start3A_220 = arith.constant 0 : i32
      %dma_start3A_221 = tpu.memref_slice %arg6[%run_scoped3A, %dma_start3A_219, %dma_start3A_220] : memref<2x128x128xf32, #tpu.memory_space<vmem>> -> memref<1x128x128xf32, #tpu.memory_space<vmem>>
      %dma_start3A_222 = tpu.memref_squeeze %dma_start3A_221 : memref<1x128x128xf32, #tpu.memory_space<vmem>> -> memref<128x128xf32, #tpu.memory_space<vmem>>
      %dma_start3A_223 = arith.constant 0 : i32
      %dma_start3A_224 = tpu.memref_slice %arg7[%mul3A_14, %dma_start3A_223] : memref<10240x128xf32, #tpu.memory_space<vmem_shared>> -> memref<128x128xf32, #tpu.memory_space<vmem_shared>>
      %dma_start3A_225 = arith.constant 0 : i32
      %dma_start3A_226 = tpu.memref_slice %arg7[%mul3A_14, %dma_start3A_225] : memref<10240x128xf32, #tpu.memory_space<vmem_shared>> -> memref<128x128xf32, #tpu.memory_space<vmem_shared>>
      %dma_start3A_227 = arith.constant 0 : i32
      %dma_start3A_228 = arith.constant 0 : i32
      %dma_start3A_229 = tpu.memref_slice %arg6[%run_scoped3A, %dma_start3A_227, %dma_start3A_228] : memref<2x128x128xf32, #tpu.memory_space<vmem>> -> memref<1x128x128xf32, #tpu.memory_space<vmem>>
      %dma_start3A_230 = tpu.memref_squeeze %dma_start3A_229 : memref<1x128x128xf32, #tpu.memory_space<vmem>> -> memref<128x128xf32, #tpu.memory_space<vmem>>
      tpu.enqueue_dma source(%dma_start3A_230 : memref<128x128xf32, #tpu.memory_space<vmem>>) target(%dma_start3A_226 : memref<128x128xf32, #tpu.memory_space<vmem_shared>>) target_semaphore(%run_scoped3A_218 : memref<!tpu.dma_semaphore, #tpu.memory_space<semaphore_mem>>)
      %dma_wait3A_231 = arith.constant 0 : i32
      %dma_wait3A_232 = arith.constant 0 : i32
      %dma_wait3A_233 = tpu.memref_slice %arg6[%run_scoped3A, %dma_wait3A_231, %dma_wait3A_232] : memref<2x128x128xf32, #tpu.memory_space<vmem>> -> memref<1x128x128xf32, #tpu.memory_space<vmem>>
      %dma_wait3A_234 = tpu.memref_squeeze %dma_wait3A_233 : memref<1x128x128xf32, #tpu.memory_space<vmem>> -> memref<128x128xf32, #tpu.memory_space<vmem>>
      %dma_wait3A_235 = arith.constant 0 : i32
      %dma_wait3A_236 = tpu.memref_slice %arg7[%mul3A_14, %dma_wait3A_235] : memref<10240x128xf32, #tpu.memory_space<vmem_shared>> -> memref<128x128xf32, #tpu.memory_space<vmem_shared>>
      %dma_wait3A_237 = arith.constant 0 : i32
      %dma_wait3A_238 = tpu.memref_slice %arg7[%mul3A_14, %dma_wait3A_237] : memref<10240x128xf32, #tpu.memory_space<vmem_shared>> -> memref<128x128xf32, #tpu.memory_space<vmem_shared>>
      %dma_wait3A_239 = arith.constant 0 : i32
      %dma_wait3A_240 = arith.constant 0 : i32
      %dma_wait3A_241 = tpu.memref_slice %arg6[%run_scoped3A, %dma_wait3A_239, %dma_wait3A_240] : memref<2x128x128xf32, #tpu.memory_space<vmem>> -> memref<1x128x128xf32, #tpu.memory_space<vmem>>
      %dma_wait3A_242 = tpu.memref_squeeze %dma_wait3A_241 : memref<1x128x128xf32, #tpu.memory_space<vmem>> -> memref<128x128xf32, #tpu.memory_space<vmem>>
      tpu.wait_dma2 semaphore(%run_scoped3A_218 : memref<!tpu.dma_semaphore, #tpu.memory_space<semaphore_mem>>) src(%dma_wait3A_242 : memref<128x128xf32, #tpu.memory_space<vmem>>) dst(%dma_wait3A_238 : memref<128x128xf32, #tpu.memory_space<vmem_shared>>)
      tpu.yield
    }) : () -> ()
    %mul3A_15 = arith.constant 5 : i32
    %mul3A_16 = arith.muli %arg1, %mul3A_15 : i32
    %add3A_17 = arith.constant 1 : i32
    %add3A_18 = arith.addi %mul3A_16, %add3A_17 : i32
    %mul3A_19 = arith.constant 128 : i32
    %mul3A_20 = arith.muli %add3A_18, %mul3A_19 : i32
    %run_scoped3A_21 = arith.constant 0 : i32
    "tpu.region"() ({
      %run_scoped3A_218 = tpu.sem_alloc : memref<!tpu.dma_semaphore, #tpu.memory_space<semaphore_mem>>
      %dma_start3A_219 = arith.constant 0 : i32
      %dma_start3A_220 = arith.constant 0 : i32
      %dma_start3A_221 = tpu.memref_slice %arg6[%run_scoped3A_21, %dma_start3A_219, %dma_start3A_220] : memref<2x128x128xf32, #tpu.memory_space<vmem>> -> memref<1x128x128xf32, #tpu.memory_space<vmem>>
      %dma_start3A_222 = tpu.memref_squeeze %dma_start3A_221 : memref<1x128x128xf32, #tpu.memory_space<vmem>> -> memref<128x128xf32, #tpu.memory_space<vmem>>
      %dma_start3A_223 = arith.constant 0 : i32
      %dma_start3A_224 = tpu.memref_slice %arg7[%mul3A_20, %dma_start3A_223] : memref<10240x128xf32, #tpu.memory_space<vmem_shared>> -> memref<128x128xf32, #tpu.memory_space<vmem_shared>>
      %dma_start3A_225 = arith.constant 0 : i32
      %dma_start3A_226 = tpu.memref_slice %arg7[%mul3A_20, %dma_start3A_225] : memref<10240x128xf32, #tpu.memory_space<vmem_shared>> -> memref<128x128xf32, #tpu.memory_space<vmem_shared>>
      %dma_start3A_227 = arith.constant 0 : i32
      %dma_start3A_228 = arith.constant 0 : i32
      %dma_start3A_229 = tpu.memref_slice %arg6[%run_scoped3A_21, %dma_start3A_227, %dma_start3A_228] : memref<2x128x128xf32, #tpu.memory_space<vmem>> -> memref<1x128x128xf32, #tpu.memory_space<vmem>>
      %dma_start3A_230 = tpu.memref_squeeze %dma_start3A_229 : memref<1x128x128xf32, #tpu.memory_space<vmem>> -> memref<128x128xf32, #tpu.memory_space<vmem>>
      tpu.enqueue_dma source(%dma_start3A_230 : memref<128x128xf32, #tpu.memory_space<vmem>>) target(%dma_start3A_226 : memref<128x128xf32, #tpu.memory_space<vmem_shared>>) target_semaphore(%run_scoped3A_218 : memref<!tpu.dma_semaphore, #tpu.memory_space<semaphore_mem>>)
      %dma_wait3A_231 = arith.constant 0 : i32
      %dma_wait3A_232 = arith.constant 0 : i32
      %dma_wait3A_233 = tpu.memref_slice %arg6[%run_scoped3A_21, %dma_wait3A_231, %dma_wait3A_232] : memref<2x128x128xf32, #tpu.memory_space<vmem>> -> memref<1x128x128xf32, #tpu.memory_space<vmem>>
      %dma_wait3A_234 = tpu.memref_squeeze %dma_wait3A_233 : memref<1x128x128xf32, #tpu.memory_space<vmem>> -> memref<128x128xf32, #tpu.memory_space<vmem>>
      %dma_wait3A_235 = arith.constant 0 : i32
      %dma_wait3A_236 = tpu.memref_slice %arg7[%mul3A_20, %dma_wait3A_235] : memref<10240x128xf32, #tpu.memory_space<vmem_shared>> -> memref<128x128xf32, #tpu.memory_space<vmem_shared>>
      %dma_wait3A_237 = arith.constant 0 : i32
      %dma_wait3A_238 = tpu.memref_slice %arg7[%mul3A_20, %dma_wait3A_237] : memref<10240x128xf32, #tpu.memory_space<vmem_shared>> -> memref<128x128xf32, #tpu.memory_space<vmem_shared>>
      %dma_wait3A_239 = arith.constant 0 : i32
      %dma_wait3A_240 = arith.constant 0 : i32
      %dma_wait3A_241 = tpu.memref_slice %arg6[%run_scoped3A_21, %dma_wait3A_239, %dma_wait3A_240] : memref<2x128x128xf32, #tpu.memory_space<vmem>> -> memref<1x128x128xf32, #tpu.memory_space<vmem>>
      %dma_wait3A_242 = tpu.memref_squeeze %dma_wait3A_241 : memref<1x128x128xf32, #tpu.memory_space<vmem>> -> memref<128x128xf32, #tpu.memory_space<vmem>>
      tpu.wait_dma2 semaphore(%run_scoped3A_218 : memref<!tpu.dma_semaphore, #tpu.memory_space<semaphore_mem>>) src(%dma_wait3A_242 : memref<128x128xf32, #tpu.memory_space<vmem>>) dst(%dma_wait3A_238 : memref<128x128xf32, #tpu.memory_space<vmem_shared>>)
      tpu.yield
    }) : () -> ()
    %mul3A_22 = arith.constant 5 : i32
    %mul3A_23 = arith.muli %arg1, %mul3A_22 : i32
    %add3A_24 = arith.constant 2 : i32
    %add3A_25 = arith.addi %mul3A_23, %add3A_24 : i32
    %mul3A_26 = arith.constant 128 : i32
    %mul3A_27 = arith.muli %add3A_25, %mul3A_26 : i32
    %run_scoped3A_28 = arith.constant 0 : i32
    "tpu.region"() ({
      %run_scoped3A_218 = tpu.sem_alloc : memref<!tpu.dma_semaphore, #tpu.memory_space<semaphore_mem>>
      %dma_start3A_219 = arith.constant 0 : i32
      %dma_start3A_220 = arith.constant 0 : i32
      %dma_start3A_221 = tpu.memref_slice %arg6[%run_scoped3A_28, %dma_start3A_219, %dma_start3A_220] : memref<2x128x128xf32, #tpu.memory_space<vmem>> -> memref<1x128x128xf32, #tpu.memory_space<vmem>>
      %dma_start3A_222 = tpu.memref_squeeze %dma_start3A_221 : memref<1x128x128xf32, #tpu.memory_space<vmem>> -> memref<128x128xf32, #tpu.memory_space<vmem>>
      %dma_start3A_223 = arith.constant 0 : i32
      %dma_start3A_224 = tpu.memref_slice %arg7[%mul3A_27, %dma_start3A_223] : memref<10240x128xf32, #tpu.memory_space<vmem_shared>> -> memref<128x128xf32, #tpu.memory_space<vmem_shared>>
      %dma_start3A_225 = arith.constant 0 : i32
      %dma_start3A_226 = tpu.memref_slice %arg7[%mul3A_27, %dma_start3A_225] : memref<10240x128xf32, #tpu.memory_space<vmem_shared>> -> memref<128x128xf32, #tpu.memory_space<vmem_shared>>
      %dma_start3A_227 = arith.constant 0 : i32
      %dma_start3A_228 = arith.constant 0 : i32
      %dma_start3A_229 = tpu.memref_slice %arg6[%run_scoped3A_28, %dma_start3A_227, %dma_start3A_228] : memref<2x128x128xf32, #tpu.memory_space<vmem>> -> memref<1x128x128xf32, #tpu.memory_space<vmem>>
      %dma_start3A_230 = tpu.memref_squeeze %dma_start3A_229 : memref<1x128x128xf32, #tpu.memory_space<vmem>> -> memref<128x128xf32, #tpu.memory_space<vmem>>
      tpu.enqueue_dma source(%dma_start3A_230 : memref<128x128xf32, #tpu.memory_space<vmem>>) target(%dma_start3A_226 : memref<128x128xf32, #tpu.memory_space<vmem_shared>>) target_semaphore(%run_scoped3A_218 : memref<!tpu.dma_semaphore, #tpu.memory_space<semaphore_mem>>)
      %dma_wait3A_231 = arith.constant 0 : i32
      %dma_wait3A_232 = arith.constant 0 : i32
      %dma_wait3A_233 = tpu.memref_slice %arg6[%run_scoped3A_28, %dma_wait3A_231, %dma_wait3A_232] : memref<2x128x128xf32, #tpu.memory_space<vmem>> -> memref<1x128x128xf32, #tpu.memory_space<vmem>>
      %dma_wait3A_234 = tpu.memref_squeeze %dma_wait3A_233 : memref<1x128x128xf32, #tpu.memory_space<vmem>> -> memref<128x128xf32, #tpu.memory_space<vmem>>
      %dma_wait3A_235 = arith.constant 0 : i32
      %dma_wait3A_236 = tpu.memref_slice %arg7[%mul3A_27, %dma_wait3A_235] : memref<10240x128xf32, #tpu.memory_space<vmem_shared>> -> memref<128x128xf32, #tpu.memory_space<vmem_shared>>
      %dma_wait3A_237 = arith.constant 0 : i32
      %dma_wait3A_238 = tpu.memref_slice %arg7[%mul3A_27, %dma_wait3A_237] : memref<10240x128xf32, #tpu.memory_space<vmem_shared>> -> memref<128x128xf32, #tpu.memory_space<vmem_shared>>
      %dma_wait3A_239 = arith.constant 0 : i32
      %dma_wait3A_240 = arith.constant 0 : i32
      %dma_wait3A_241 = tpu.memref_slice %arg6[%run_scoped3A_28, %dma_wait3A_239, %dma_wait3A_240] : memref<2x128x128xf32, #tpu.memory_space<vmem>> -> memref<1x128x128xf32, #tpu.memory_space<vmem>>
      %dma_wait3A_242 = tpu.memref_squeeze %dma_wait3A_241 : memref<1x128x128xf32, #tpu.memory_space<vmem>> -> memref<128x128xf32, #tpu.memory_space<vmem>>
      tpu.wait_dma2 semaphore(%run_scoped3A_218 : memref<!tpu.dma_semaphore, #tpu.memory_space<semaphore_mem>>) src(%dma_wait3A_242 : memref<128x128xf32, #tpu.memory_space<vmem>>) dst(%dma_wait3A_238 : memref<128x128xf32, #tpu.memory_space<vmem_shared>>)
      tpu.yield
    }) : () -> ()
    %mul3A_29 = arith.constant 5 : i32
    %mul3A_30 = arith.muli %arg1, %mul3A_29 : i32
    %add3A_31 = arith.constant 3 : i32
    %add3A_32 = arith.addi %mul3A_30, %add3A_31 : i32
    %mul3A_33 = arith.constant 128 : i32
    %mul3A_34 = arith.muli %add3A_32, %mul3A_33 : i32
    %run_scoped3A_35 = arith.constant 0 : i32
    "tpu.region"() ({
      %run_scoped3A_218 = tpu.sem_alloc : memref<!tpu.dma_semaphore, #tpu.memory_space<semaphore_mem>>
      %dma_start3A_219 = arith.constant 0 : i32
      %dma_start3A_220 = arith.constant 0 : i32
      %dma_start3A_221 = tpu.memref_slice %arg6[%run_scoped3A_35, %dma_start3A_219, %dma_start3A_220] : memref<2x128x128xf32, #tpu.memory_space<vmem>> -> memref<1x128x128xf32, #tpu.memory_space<vmem>>
      %dma_start3A_222 = tpu.memref_squeeze %dma_start3A_221 : memref<1x128x128xf32, #tpu.memory_space<vmem>> -> memref<128x128xf32, #tpu.memory_space<vmem>>
      %dma_start3A_223 = arith.constant 0 : i32
      %dma_start3A_224 = tpu.memref_slice %arg7[%mul3A_34, %dma_start3A_223] : memref<10240x128xf32, #tpu.memory_space<vmem_shared>> -> memref<128x128xf32, #tpu.memory_space<vmem_shared>>
      %dma_start3A_225 = arith.constant 0 : i32
      %dma_start3A_226 = tpu.memref_slice %arg7[%mul3A_34, %dma_start3A_225] : memref<10240x128xf32, #tpu.memory_space<vmem_shared>> -> memref<128x128xf32, #tpu.memory_space<vmem_shared>>
      %dma_start3A_227 = arith.constant 0 : i32
      %dma_start3A_228 = arith.constant 0 : i32
      %dma_start3A_229 = tpu.memref_slice %arg6[%run_scoped3A_35, %dma_start3A_227, %dma_start3A_228] : memref<2x128x128xf32, #tpu.memory_space<vmem>> -> memref<1x128x128xf32, #tpu.memory_space<vmem>>
      %dma_start3A_230 = tpu.memref_squeeze %dma_start3A_229 : memref<1x128x128xf32, #tpu.memory_space<vmem>> -> memref<128x128xf32, #tpu.memory_space<vmem>>
      tpu.enqueue_dma source(%dma_start3A_230 : memref<128x128xf32, #tpu.memory_space<vmem>>) target(%dma_start3A_226 : memref<128x128xf32, #tpu.memory_space<vmem_shared>>) target_semaphore(%run_scoped3A_218 : memref<!tpu.dma_semaphore, #tpu.memory_space<semaphore_mem>>)
      %dma_wait3A_231 = arith.constant 0 : i32
      %dma_wait3A_232 = arith.constant 0 : i32
      %dma_wait3A_233 = tpu.memref_slice %arg6[%run_scoped3A_35, %dma_wait3A_231, %dma_wait3A_232] : memref<2x128x128xf32, #tpu.memory_space<vmem>> -> memref<1x128x128xf32, #tpu.memory_space<vmem>>
      %dma_wait3A_234 = tpu.memref_squeeze %dma_wait3A_233 : memref<1x128x128xf32, #tpu.memory_space<vmem>> -> memref<128x128xf32, #tpu.memory_space<vmem>>
      %dma_wait3A_235 = arith.constant 0 : i32
      %dma_wait3A_236 = tpu.memref_slice %arg7[%mul3A_34, %dma_wait3A_235] : memref<10240x128xf32, #tpu.memory_space<vmem_shared>> -> memref<128x128xf32, #tpu.memory_space<vmem_shared>>
      %dma_wait3A_237 = arith.constant 0 : i32
      %dma_wait3A_238 = tpu.memref_slice %arg7[%mul3A_34, %dma_wait3A_237] : memref<10240x128xf32, #tpu.memory_space<vmem_shared>> -> memref<128x128xf32, #tpu.memory_space<vmem_shared>>
      %dma_wait3A_239 = arith.constant 0 : i32
      %dma_wait3A_240 = arith.constant 0 : i32
      %dma_wait3A_241 = tpu.memref_slice %arg6[%run_scoped3A_35, %dma_wait3A_239, %dma_wait3A_240] : memref<2x128x128xf32, #tpu.memory_space<vmem>> -> memref<1x128x128xf32, #tpu.memory_space<vmem>>
      %dma_wait3A_242 = tpu.memref_squeeze %dma_wait3A_241 : memref<1x128x128xf32, #tpu.memory_space<vmem>> -> memref<128x128xf32, #tpu.memory_space<vmem>>
      tpu.wait_dma2 semaphore(%run_scoped3A_218 : memref<!tpu.dma_semaphore, #tpu.memory_space<semaphore_mem>>) src(%dma_wait3A_242 : memref<128x128xf32, #tpu.memory_space<vmem>>) dst(%dma_wait3A_238 : memref<128x128xf32, #tpu.memory_space<vmem_shared>>)
      tpu.yield
    }) : () -> ()
    %mul3A_36 = arith.constant 5 : i32
    %mul3A_37 = arith.muli %arg1, %mul3A_36 : i32
    %add3A_38 = arith.constant 4 : i32
    %add3A_39 = arith.addi %mul3A_37, %add3A_38 : i32
    %mul3A_40 = arith.constant 128 : i32
    %mul3A_41 = arith.muli %add3A_39, %mul3A_40 : i32
    %run_scoped3A_42 = arith.constant 0 : i32
    "tpu.region"() ({
      %run_scoped3A_218 = tpu.sem_alloc : memref<!tpu.dma_semaphore, #tpu.memory_space<semaphore_mem>>
      %dma_start3A_219 = arith.constant 0 : i32
      %dma_start3A_220 = arith.constant 0 : i32
      %dma_start3A_221 = tpu.memref_slice %arg6[%run_scoped3A_42, %dma_start3A_219, %dma_start3A_220] : memref<2x128x128xf32, #tpu.memory_space<vmem>> -> memref<1x128x128xf32, #tpu.memory_space<vmem>>
      %dma_start3A_222 = tpu.memref_squeeze %dma_start3A_221 : memref<1x128x128xf32, #tpu.memory_space<vmem>> -> memref<128x128xf32, #tpu.memory_space<vmem>>
      %dma_start3A_223 = arith.constant 0 : i32
      %dma_start3A_224 = tpu.memref_slice %arg7[%mul3A_41, %dma_start3A_223] : memref<10240x128xf32, #tpu.memory_space<vmem_shared>> -> memref<128x128xf32, #tpu.memory_space<vmem_shared>>
      %dma_start3A_225 = arith.constant 0 : i32
      %dma_start3A_226 = tpu.memref_slice %arg7[%mul3A_41, %dma_start3A_225] : memref<10240x128xf32, #tpu.memory_space<vmem_shared>> -> memref<128x128xf32, #tpu.memory_space<vmem_shared>>
      %dma_start3A_227 = arith.constant 0 : i32
      %dma_start3A_228 = arith.constant 0 : i32
      %dma_start3A_229 = tpu.memref_slice %arg6[%run_scoped3A_42, %dma_start3A_227, %dma_start3A_228] : memref<2x128x128xf32, #tpu.memory_space<vmem>> -> memref<1x128x128xf32, #tpu.memory_space<vmem>>
      %dma_start3A_230 = tpu.memref_squeeze %dma_start3A_229 : memref<1x128x128xf32, #tpu.memory_space<vmem>> -> memref<128x128xf32, #tpu.memory_space<vmem>>
      tpu.enqueue_dma source(%dma_start3A_230 : memref<128x128xf32, #tpu.memory_space<vmem>>) target(%dma_start3A_226 : memref<128x128xf32, #tpu.memory_space<vmem_shared>>) target_semaphore(%run_scoped3A_218 : memref<!tpu.dma_semaphore, #tpu.memory_space<semaphore_mem>>)
      %dma_wait3A_231 = arith.constant 0 : i32
      %dma_wait3A_232 = arith.constant 0 : i32
      %dma_wait3A_233 = tpu.memref_slice %arg6[%run_scoped3A_42, %dma_wait3A_231, %dma_wait3A_232] : memref<2x128x128xf32, #tpu.memory_space<vmem>> -> memref<1x128x128xf32, #tpu.memory_space<vmem>>
      %dma_wait3A_234 = tpu.memref_squeeze %dma_wait3A_233 : memref<1x128x128xf32, #tpu.memory_space<vmem>> -> memref<128x128xf32, #tpu.memory_space<vmem>>
      %dma_wait3A_235 = arith.constant 0 : i32
      %dma_wait3A_236 = tpu.memref_slice %arg7[%mul3A_41, %dma_wait3A_235] : memref<10240x128xf32, #tpu.memory_space<vmem_shared>> -> memref<128x128xf32, #tpu.memory_space<vmem_shared>>
      %dma_wait3A_237 = arith.constant 0 : i32
      %dma_wait3A_238 = tpu.memref_slice %arg7[%mul3A_41, %dma_wait3A_237] : memref<10240x128xf32, #tpu.memory_space<vmem_shared>> -> memref<128x128xf32, #tpu.memory_space<vmem_shared>>
      %dma_wait3A_239 = arith.constant 0 : i32
      %dma_wait3A_240 = arith.constant 0 : i32
      %dma_wait3A_241 = tpu.memref_slice %arg6[%run_scoped3A_42, %dma_wait3A_239, %dma_wait3A_240] : memref<2x128x128xf32, #tpu.memory_space<vmem>> -> memref<1x128x128xf32, #tpu.memory_space<vmem>>
      %dma_wait3A_242 = tpu.memref_squeeze %dma_wait3A_241 : memref<1x128x128xf32, #tpu.memory_space<vmem>> -> memref<128x128xf32, #tpu.memory_space<vmem>>
      tpu.wait_dma2 semaphore(%run_scoped3A_218 : memref<!tpu.dma_semaphore, #tpu.memory_space<semaphore_mem>>) src(%dma_wait3A_242 : memref<128x128xf32, #tpu.memory_space<vmem>>) dst(%dma_wait3A_238 : memref<128x128xf32, #tpu.memory_space<vmem_shared>>)
      tpu.yield
    }) : () -> ()
    %barrier3A = arith.constant 0 : index
    tpu.barrier barrier_id(%barrier3A)
    %add3A_43 = arith.constant 0 : i32
    %add3A_44 = arith.addi %mul3A_2, %add3A_43 : i32
    %dma_start3A = arith.constant 0 : i32
    %dma_start3A_45 = arith.constant 0 : i32
    %dma_start3A_46 = arith.constant 0 : i32
    %dma_start3A_47 = tpu.memref_slice %arg5[%dma_start3A, %dma_start3A_45, %dma_start3A_46] : memref<4x2x128xi32, #tpu.memory_space<vmem>> -> memref<1x2x128xi32, #tpu.memory_space<vmem>>
    %dma_start3A_48 = tpu.memref_squeeze %dma_start3A_47 : memref<1x2x128xi32, #tpu.memory_space<vmem>> -> memref<2x128xi32, #tpu.memory_space<vmem>>
    %dma_start3A_49 = arith.constant 0 : i32
    %dma_start3A_50 = arith.constant 0 : i32
    %dma_start3A_51 = tpu.memref_slice %arg3[%add3A_44, %dma_start3A_49, %dma_start3A_50] : memref<2568x2x128xi32, #tpu.memory_space<hbm>> -> memref<1x2x128xi32, #tpu.memory_space<hbm>>
    %dma_start3A_52 = tpu.memref_squeeze %dma_start3A_51 : memref<1x2x128xi32, #tpu.memory_space<hbm>> -> memref<2x128xi32, #tpu.memory_space<hbm>>
    %dma_start3A_53 = arith.constant 0 : i32
    %dma_start3A_54 = arith.constant 0 : i32
    %dma_start3A_55 = tpu.memref_slice %arg5[%dma_start3A, %dma_start3A_53, %dma_start3A_54] : memref<4x2x128xi32, #tpu.memory_space<vmem>> -> memref<1x2x128xi32, #tpu.memory_space<vmem>>
    %dma_start3A_56 = tpu.memref_squeeze %dma_start3A_55 : memref<1x2x128xi32, #tpu.memory_space<vmem>> -> memref<2x128xi32, #tpu.memory_space<vmem>>
    %dma_start3A_57 = arith.constant 0 : i32
    %dma_start3A_58 = arith.constant 0 : i32
    %dma_start3A_59 = tpu.memref_slice %arg3[%add3A_44, %dma_start3A_57, %dma_start3A_58] : memref<2568x2x128xi32, #tpu.memory_space<hbm>> -> memref<1x2x128xi32, #tpu.memory_space<hbm>>
    %dma_start3A_60 = tpu.memref_squeeze %dma_start3A_59 : memref<1x2x128xi32, #tpu.memory_space<hbm>> -> memref<2x128xi32, #tpu.memory_space<hbm>>
    tpu.enqueue_dma source(%dma_start3A_60 : memref<2x128xi32, #tpu.memory_space<hbm>>) target(%dma_start3A_56 : memref<2x128xi32, #tpu.memory_space<vmem>>) target_semaphore(%arg8 : memref<!tpu.dma_semaphore, #tpu.memory_space<semaphore_mem>>)
    %add3A_61 = arith.constant 1 : i32
    %add3A_62 = arith.addi %mul3A_2, %add3A_61 : i32
    %dma_start3A_63 = arith.constant 1 : i32
    %dma_start3A_64 = arith.constant 0 : i32
    %dma_start3A_65 = arith.constant 0 : i32
    %dma_start3A_66 = tpu.memref_slice %arg5[%dma_start3A_63, %dma_start3A_64, %dma_start3A_65] : memref<4x2x128xi32, #tpu.memory_space<vmem>> -> memref<1x2x128xi32, #tpu.memory_space<vmem>>
    %dma_start3A_67 = tpu.memref_squeeze %dma_start3A_66 : memref<1x2x128xi32, #tpu.memory_space<vmem>> -> memref<2x128xi32, #tpu.memory_space<vmem>>
    %dma_start3A_68 = arith.constant 0 : i32
    %dma_start3A_69 = arith.constant 0 : i32
    %dma_start3A_70 = tpu.memref_slice %arg3[%add3A_62, %dma_start3A_68, %dma_start3A_69] : memref<2568x2x128xi32, #tpu.memory_space<hbm>> -> memref<1x2x128xi32, #tpu.memory_space<hbm>>
    %dma_start3A_71 = tpu.memref_squeeze %dma_start3A_70 : memref<1x2x128xi32, #tpu.memory_space<hbm>> -> memref<2x128xi32, #tpu.memory_space<hbm>>
    %dma_start3A_72 = arith.constant 0 : i32
    %dma_start3A_73 = arith.constant 0 : i32
    %dma_start3A_74 = tpu.memref_slice %arg5[%dma_start3A_63, %dma_start3A_72, %dma_start3A_73] : memref<4x2x128xi32, #tpu.memory_space<vmem>> -> memref<1x2x128xi32, #tpu.memory_space<vmem>>
    %dma_start3A_75 = tpu.memref_squeeze %dma_start3A_74 : memref<1x2x128xi32, #tpu.memory_space<vmem>> -> memref<2x128xi32, #tpu.memory_space<vmem>>
    %dma_start3A_76 = arith.constant 0 : i32
    %dma_start3A_77 = arith.constant 0 : i32
    %dma_start3A_78 = tpu.memref_slice %arg3[%add3A_62, %dma_start3A_76, %dma_start3A_77] : memref<2568x2x128xi32, #tpu.memory_space<hbm>> -> memref<1x2x128xi32, #tpu.memory_space<hbm>>
    %dma_start3A_79 = tpu.memref_squeeze %dma_start3A_78 : memref<1x2x128xi32, #tpu.memory_space<hbm>> -> memref<2x128xi32, #tpu.memory_space<hbm>>
    tpu.enqueue_dma source(%dma_start3A_79 : memref<2x128xi32, #tpu.memory_space<hbm>>) target(%dma_start3A_75 : memref<2x128xi32, #tpu.memory_space<vmem>>) target_semaphore(%arg9 : memref<!tpu.dma_semaphore, #tpu.memory_space<semaphore_mem>>)
    %add3A_80 = arith.constant 2 : i32
    %add3A_81 = arith.addi %mul3A_2, %add3A_80 : i32
    %dma_start3A_82 = arith.constant 2 : i32
    %dma_start3A_83 = arith.constant 0 : i32
    %dma_start3A_84 = arith.constant 0 : i32
    %dma_start3A_85 = tpu.memref_slice %arg5[%dma_start3A_82, %dma_start3A_83, %dma_start3A_84] : memref<4x2x128xi32, #tpu.memory_space<vmem>> -> memref<1x2x128xi32, #tpu.memory_space<vmem>>
    %dma_start3A_86 = tpu.memref_squeeze %dma_start3A_85 : memref<1x2x128xi32, #tpu.memory_space<vmem>> -> memref<2x128xi32, #tpu.memory_space<vmem>>
    %dma_start3A_87 = arith.constant 0 : i32
    %dma_start3A_88 = arith.constant 0 : i32
    %dma_start3A_89 = tpu.memref_slice %arg3[%add3A_81, %dma_start3A_87, %dma_start3A_88] : memref<2568x2x128xi32, #tpu.memory_space<hbm>> -> memref<1x2x128xi32, #tpu.memory_space<hbm>>
    %dma_start3A_90 = tpu.memref_squeeze %dma_start3A_89 : memref<1x2x128xi32, #tpu.memory_space<hbm>> -> memref<2x128xi32, #tpu.memory_space<hbm>>
    %dma_start3A_91 = arith.constant 0 : i32
    %dma_start3A_92 = arith.constant 0 : i32
    %dma_start3A_93 = tpu.memref_slice %arg5[%dma_start3A_82, %dma_start3A_91, %dma_start3A_92] : memref<4x2x128xi32, #tpu.memory_space<vmem>> -> memref<1x2x128xi32, #tpu.memory_space<vmem>>
    %dma_start3A_94 = tpu.memref_squeeze %dma_start3A_93 : memref<1x2x128xi32, #tpu.memory_space<vmem>> -> memref<2x128xi32, #tpu.memory_space<vmem>>
    %dma_start3A_95 = arith.constant 0 : i32
    %dma_start3A_96 = arith.constant 0 : i32
    %dma_start3A_97 = tpu.memref_slice %arg3[%add3A_81, %dma_start3A_95, %dma_start3A_96] : memref<2568x2x128xi32, #tpu.memory_space<hbm>> -> memref<1x2x128xi32, #tpu.memory_space<hbm>>
    %dma_start3A_98 = tpu.memref_squeeze %dma_start3A_97 : memref<1x2x128xi32, #tpu.memory_space<hbm>> -> memref<2x128xi32, #tpu.memory_space<hbm>>
    tpu.enqueue_dma source(%dma_start3A_98 : memref<2x128xi32, #tpu.memory_space<hbm>>) target(%dma_start3A_94 : memref<2x128xi32, #tpu.memory_space<vmem>>) target_semaphore(%arg10 : memref<!tpu.dma_semaphore, #tpu.memory_space<semaphore_mem>>)
    %add3A_99 = arith.constant 0 : i32
    %add3A_100 = arith.addi %mul3A_2, %add3A_99 : i32
    %dma_wait3A = arith.constant 0 : i32
    %dma_wait3A_101 = arith.constant 0 : i32
    %dma_wait3A_102 = arith.constant 0 : i32
    %dma_wait3A_103 = tpu.memref_slice %arg5[%dma_wait3A, %dma_wait3A_101, %dma_wait3A_102] : memref<4x2x128xi32, #tpu.memory_space<vmem>> -> memref<1x2x128xi32, #tpu.memory_space<vmem>>
    %dma_wait3A_104 = tpu.memref_squeeze %dma_wait3A_103 : memref<1x2x128xi32, #tpu.memory_space<vmem>> -> memref<2x128xi32, #tpu.memory_space<vmem>>
    %dma_wait3A_105 = arith.constant 0 : i32
    %dma_wait3A_106 = arith.constant 0 : i32
    %dma_wait3A_107 = tpu.memref_slice %arg3[%add3A_100, %dma_wait3A_105, %dma_wait3A_106] : memref<2568x2x128xi32, #tpu.memory_space<hbm>> -> memref<1x2x128xi32, #tpu.memory_space<hbm>>
    %dma_wait3A_108 = tpu.memref_squeeze %dma_wait3A_107 : memref<1x2x128xi32, #tpu.memory_space<hbm>> -> memref<2x128xi32, #tpu.memory_space<hbm>>
    %dma_wait3A_109 = arith.constant 0 : i32
    %dma_wait3A_110 = arith.constant 0 : i32
    %dma_wait3A_111 = tpu.memref_slice %arg5[%dma_wait3A, %dma_wait3A_109, %dma_wait3A_110] : memref<4x2x128xi32, #tpu.memory_space<vmem>> -> memref<1x2x128xi32, #tpu.memory_space<vmem>>
    %dma_wait3A_112 = tpu.memref_squeeze %dma_wait3A_111 : memref<1x2x128xi32, #tpu.memory_space<vmem>> -> memref<2x128xi32, #tpu.memory_space<vmem>>
    %dma_wait3A_113 = arith.constant 0 : i32
    %dma_wait3A_114 = arith.constant 0 : i32
    %dma_wait3A_115 = tpu.memref_slice %arg3[%add3A_100, %dma_wait3A_113, %dma_wait3A_114] : memref<2568x2x128xi32, #tpu.memory_space<hbm>> -> memref<1x2x128xi32, #tpu.memory_space<hbm>>
    %dma_wait3A_116 = tpu.memref_squeeze %dma_wait3A_115 : memref<1x2x128xi32, #tpu.memory_space<hbm>> -> memref<2x128xi32, #tpu.memory_space<hbm>>
    tpu.wait_dma2 semaphore(%arg8 : memref<!tpu.dma_semaphore, #tpu.memory_space<semaphore_mem>>) src(%dma_wait3A_116 : memref<2x128xi32, #tpu.memory_space<hbm>>) dst(%dma_wait3A_112 : memref<2x128xi32, #tpu.memory_space<vmem>>)
    %dma_start3A_117 = arith.constant 0 : i32
    %dma_start3A_118 = arith.constant 1 : i32
    %dma_start3A_119 = arith.constant 0 : i32
    %dma_start3A_120 = arith.constant 0 : i32
    %dma_start3A_121 = arith.constant 0 : i32
    %dma_start3A_122 = tpu.memref_slice %arg6[%dma_start3A_119, %dma_start3A_120, %dma_start3A_121] : memref<2x128x128xf32, #tpu.memory_space<vmem>> -> memref<1x64x128xf32, #tpu.memory_space<vmem>>
    %dma_start3A_123 = tpu.memref_squeeze %dma_start3A_122 : memref<1x64x128xf32, #tpu.memory_space<vmem>> -> memref<64x128xf32, #tpu.memory_space<vmem>>
    %dma_start3A_124 = arith.constant 0 : i32
    %dma_start3A_125 = tpu.memref_slice %arg5[%dma_start3A_117, %dma_start3A_118, %dma_start3A_124] : memref<4x2x128xi32, #tpu.memory_space<vmem>> -> memref<1x1x64xi32, #tpu.memory_space<vmem>>
    %dma_start3A_126 = tpu.memref_squeeze %dma_start3A_125 : memref<1x1x64xi32, #tpu.memory_space<vmem>> -> memref<64xi32, #tpu.memory_space<vmem>>
    %dma_start3A_127 = arith.constant 0 : i32
    %dma_start3A_128 = arith.constant 0 : i32
    %dma_start3A_129 = tpu.memref_slice %arg2[%dma_start3A_127, %dma_start3A_128] : memref<10000x128xf32, #tpu.memory_space<hbm>> -> memref<10000x128xf32, #tpu.memory_space<hbm>>
    tpu.enqueue_indirect_dma source(%dma_start3A_129 : memref<10000x128xf32, #tpu.memory_space<hbm>>) target(%dma_start3A_123 : memref<64x128xf32, #tpu.memory_space<vmem>>) offsets(%dma_start3A_126 : memref<64xi32, #tpu.memory_space<vmem>>) semaphore(%arg12 : memref<!tpu.dma_semaphore, #tpu.memory_space<semaphore_mem>>)
    %dma_start3A_130 = arith.constant 0 : i32
    %dma_start3A_131 = arith.constant 1 : i32
    %dma_start3A_132 = arith.constant 0 : i32
    %dma_start3A_133 = arith.constant 64 : i32
    %dma_start3A_134 = arith.constant 0 : i32
    %dma_start3A_135 = tpu.memref_slice %arg6[%dma_start3A_132, %dma_start3A_133, %dma_start3A_134] : memref<2x128x128xf32, #tpu.memory_space<vmem>> -> memref<1x64x128xf32, #tpu.memory_space<vmem>>
    %dma_start3A_136 = tpu.memref_squeeze %dma_start3A_135 : memref<1x64x128xf32, #tpu.memory_space<vmem>> -> memref<64x128xf32, #tpu.memory_space<vmem>>
    %dma_start3A_137 = arith.constant 64 : i32
    %dma_start3A_138 = tpu.memref_slice %arg5[%dma_start3A_130, %dma_start3A_131, %dma_start3A_137] : memref<4x2x128xi32, #tpu.memory_space<vmem>> -> memref<1x1x64xi32, #tpu.memory_space<vmem>>
    %dma_start3A_139 = tpu.memref_squeeze %dma_start3A_138 : memref<1x1x64xi32, #tpu.memory_space<vmem>> -> memref<64xi32, #tpu.memory_space<vmem>>
    %dma_start3A_140 = arith.constant 0 : i32
    %dma_start3A_141 = arith.constant 0 : i32
    %dma_start3A_142 = tpu.memref_slice %arg2[%dma_start3A_140, %dma_start3A_141] : memref<10000x128xf32, #tpu.memory_space<hbm>> -> memref<10000x128xf32, #tpu.memory_space<hbm>>
    tpu.enqueue_indirect_dma source(%dma_start3A_142 : memref<10000x128xf32, #tpu.memory_space<hbm>>) target(%dma_start3A_136 : memref<64x128xf32, #tpu.memory_space<vmem>>) offsets(%dma_start3A_139 : memref<64xi32, #tpu.memory_space<vmem>>) semaphore(%arg14 : memref<!tpu.dma_semaphore, #tpu.memory_space<semaphore_mem>>)
    %dma_wait3A_143 = arith.constant 0 : i32
    %dma_wait3A_144 = arith.constant 1 : i32
    %dma_wait3A_145 = arith.constant 0 : i32
    %dma_wait3A_146 = arith.constant 0 : i32
    %dma_wait3A_147 = arith.constant 0 : i32
    %dma_wait3A_148 = tpu.memref_slice %arg6[%dma_wait3A_145, %dma_wait3A_146, %dma_wait3A_147] : memref<2x128x128xf32, #tpu.memory_space<vmem>> -> memref<1x64x128xf32, #tpu.memory_space<vmem>>
    %dma_wait3A_149 = tpu.memref_squeeze %dma_wait3A_148 : memref<1x64x128xf32, #tpu.memory_space<vmem>> -> memref<64x128xf32, #tpu.memory_space<vmem>>
    %dma_wait3A_150 = arith.constant 0 : i32
    %dma_wait3A_151 = tpu.memref_slice %arg5[%dma_wait3A_143, %dma_wait3A_144, %dma_wait3A_150] : memref<4x2x128xi32, #tpu.memory_space<vmem>> -> memref<1x1x64xi32, #tpu.memory_space<vmem>>
    %dma_wait3A_152 = tpu.memref_squeeze %dma_wait3A_151 : memref<1x1x64xi32, #tpu.memory_space<vmem>> -> memref<64xi32, #tpu.memory_space<vmem>>
    %dma_wait3A_153 = arith.constant 0 : i32
    %dma_wait3A_154 = arith.constant 0 : i32
    %dma_wait3A_155 = tpu.memref_slice %arg2[%dma_wait3A_153, %dma_wait3A_154] : memref<10000x128xf32, #tpu.memory_space<hbm>> -> memref<10000x128xf32, #tpu.memory_space<hbm>>
    tpu.wait_indirect_dma semaphore(%arg12 : memref<!tpu.dma_semaphore, #tpu.memory_space<semaphore_mem>>) src(%dma_wait3A_155 : memref<10000x128xf32, #tpu.memory_space<hbm>>) dst(%dma_wait3A_149 : memref<64x128xf32, #tpu.memory_space<vmem>>)
    %dma_wait3A_156 = arith.constant 0 : i32
    %dma_wait3A_157 = arith.constant 1 : i32
    %dma_wait3A_158 = arith.constant 0 : i32
    %dma_wait3A_159 = arith.constant 64 : i32
    %dma_wait3A_160 = arith.constant 0 : i32
    %dma_wait3A_161 = tpu.memref_slice %arg6[%dma_wait3A_158, %dma_wait3A_159, %dma_wait3A_160] : memref<2x128x128xf32, #tpu.memory_space<vmem>> -> memref<1x64x128xf32, #tpu.memory_space<vmem>>
    %dma_wait3A_162 = tpu.memref_squeeze %dma_wait3A_161 : memref<1x64x128xf32, #tpu.memory_space<vmem>> -> memref<64x128xf32, #tpu.memory_space<vmem>>
    %dma_wait3A_163 = arith.constant 64 : i32
    %dma_wait3A_164 = tpu.memref_slice %arg5[%dma_wait3A_156, %dma_wait3A_157, %dma_wait3A_163] : memref<4x2x128xi32, #tpu.memory_space<vmem>> -> memref<1x1x64xi32, #tpu.memory_space<vmem>>
    %dma_wait3A_165 = tpu.memref_squeeze %dma_wait3A_164 : memref<1x1x64xi32, #tpu.memory_space<vmem>> -> memref<64xi32, #tpu.memory_space<vmem>>
    %dma_wait3A_166 = arith.constant 0 : i32
    %dma_wait3A_167 = arith.constant 0 : i32
    %dma_wait3A_168 = tpu.memref_slice %arg2[%dma_wait3A_166, %dma_wait3A_167] : memref<10000x128xf32, #tpu.memory_space<hbm>> -> memref<10000x128xf32, #tpu.memory_space<hbm>>
    tpu.wait_indirect_dma semaphore(%arg14 : memref<!tpu.dma_semaphore, #tpu.memory_space<semaphore_mem>>) src(%dma_wait3A_168 : memref<10000x128xf32, #tpu.memory_space<hbm>>) dst(%dma_wait3A_162 : memref<64x128xf32, #tpu.memory_space<vmem>>)
    %scan3A_169 = arith.constant 0 : i32
    %scan3A_170 = arith.constant 0 : i32
    %scan3A_171 = arith.constant 20 : i32
    %scan3A_172 = arith.addi %scan3A_170, %scan3A_171 : i32
    %scan3A_173 = arith.constant 1 : i32
    scf.for %scan3A_218 = %scan3A_170 to %scan3A_172 step %scan3A_173  : i32 {
      %mul3A_219 = arith.constant 4 : i32
      %mul3A_220 = arith.muli %scan3A_218, %mul3A_219 : i32
      %add3A_221 = arith.constant 0 : i32
      %add3A_222 = arith.addi %mul3A_220, %add3A_221 : i32
      %add3A_223 = arith.constant 1 : i32
      %add3A_224 = arith.addi %add3A_222, %add3A_223 : i32
      %add3A_225 = arith.addi %mul3A_2, %add3A_224 : i32
      %dma_wait3A_226 = arith.constant 1 : i32
      %dma_wait3A_227 = arith.constant 0 : i32
      %dma_wait3A_228 = arith.constant 0 : i32
      %dma_wait3A_229 = tpu.memref_slice %arg5[%dma_wait3A_226, %dma_wait3A_227, %dma_wait3A_228] : memref<4x2x128xi32, #tpu.memory_space<vmem>> -> memref<1x2x128xi32, #tpu.memory_space<vmem>>
      %dma_wait3A_230 = tpu.memref_squeeze %dma_wait3A_229 : memref<1x2x128xi32, #tpu.memory_space<vmem>> -> memref<2x128xi32, #tpu.memory_space<vmem>>
      %dma_wait3A_231 = arith.constant 0 : i32
      %dma_wait3A_232 = arith.constant 0 : i32
      %dma_wait3A_233 = tpu.memref_slice %arg3[%add3A_225, %dma_wait3A_231, %dma_wait3A_232] : memref<2568x2x128xi32, #tpu.memory_space<hbm>> -> memref<1x2x128xi32, #tpu.memory_space<hbm>>
      %dma_wait3A_234 = tpu.memref_squeeze %dma_wait3A_233 : memref<1x2x128xi32, #tpu.memory_space<hbm>> -> memref<2x128xi32, #tpu.memory_space<hbm>>
      %dma_wait3A_235 = arith.constant 0 : i32
      %dma_wait3A_236 = arith.constant 0 : i32
      %dma_wait3A_237 = tpu.memref_slice %arg5[%dma_wait3A_226, %dma_wait3A_235, %dma_wait3A_236] : memref<4x2x128xi32, #tpu.memory_space<vmem>> -> memref<1x2x128xi32, #tpu.memory_space<vmem>>
      %dma_wait3A_238 = tpu.memref_squeeze %dma_wait3A_237 : memref<1x2x128xi32, #tpu.memory_space<vmem>> -> memref<2x128xi32, #tpu.memory_space<vmem>>
      %dma_wait3A_239 = arith.constant 0 : i32
      %dma_wait3A_240 = arith.constant 0 : i32
      %dma_wait3A_241 = tpu.memref_slice %arg3[%add3A_225, %dma_wait3A_239, %dma_wait3A_240] : memref<2568x2x128xi32, #tpu.memory_space<hbm>> -> memref<1x2x128xi32, #tpu.memory_space<hbm>>
      %dma_wait3A_242 = tpu.memref_squeeze %dma_wait3A_241 : memref<1x2x128xi32, #tpu.memory_space<hbm>> -> memref<2x128xi32, #tpu.memory_space<hbm>>
      tpu.wait_dma2 semaphore(%arg9 : memref<!tpu.dma_semaphore, #tpu.memory_space<semaphore_mem>>) src(%dma_wait3A_242 : memref<2x128xi32, #tpu.memory_space<hbm>>) dst(%dma_wait3A_238 : memref<2x128xi32, #tpu.memory_space<vmem>>)
      %dma_start3A_243 = arith.constant 1 : i32
      %dma_start3A_244 = arith.constant 1 : i32
      %dma_start3A_245 = arith.constant 1 : i32
      %dma_start3A_246 = arith.constant 0 : i32
      %dma_start3A_247 = arith.constant 0 : i32
      %dma_start3A_248 = tpu.memref_slice %arg6[%dma_start3A_245, %dma_start3A_246, %dma_start3A_247] : memref<2x128x128xf32, #tpu.memory_space<vmem>> -> memref<1x64x128xf32, #tpu.memory_space<vmem>>
      %dma_start3A_249 = tpu.memref_squeeze %dma_start3A_248 : memref<1x64x128xf32, #tpu.memory_space<vmem>> -> memref<64x128xf32, #tpu.memory_space<vmem>>
      %dma_start3A_250 = arith.constant 0 : i32
      %dma_start3A_251 = tpu.memref_slice %arg5[%dma_start3A_243, %dma_start3A_244, %dma_start3A_250] : memref<4x2x128xi32, #tpu.memory_space<vmem>> -> memref<1x1x64xi32, #tpu.memory_space<vmem>>
      %dma_start3A_252 = tpu.memref_squeeze %dma_start3A_251 : memref<1x1x64xi32, #tpu.memory_space<vmem>> -> memref<64xi32, #tpu.memory_space<vmem>>
      %dma_start3A_253 = arith.constant 0 : i32
      %dma_start3A_254 = arith.constant 0 : i32
      %dma_start3A_255 = tpu.memref_slice %arg2[%dma_start3A_253, %dma_start3A_254] : memref<10000x128xf32, #tpu.memory_space<hbm>> -> memref<10000x128xf32, #tpu.memory_space<hbm>>
      tpu.enqueue_indirect_dma source(%dma_start3A_255 : memref<10000x128xf32, #tpu.memory_space<hbm>>) target(%dma_start3A_249 : memref<64x128xf32, #tpu.memory_space<vmem>>) offsets(%dma_start3A_252 : memref<64xi32, #tpu.memory_space<vmem>>) semaphore(%arg13 : memref<!tpu.dma_semaphore, #tpu.memory_space<semaphore_mem>>)
      %dma_start3A_256 = arith.constant 1 : i32
      %dma_start3A_257 = arith.constant 1 : i32
      %dma_start3A_258 = arith.constant 1 : i32
      %dma_start3A_259 = arith.constant 64 : i32
      %dma_start3A_260 = arith.constant 0 : i32
      %dma_start3A_261 = tpu.memref_slice %arg6[%dma_start3A_258, %dma_start3A_259, %dma_start3A_260] : memref<2x128x128xf32, #tpu.memory_space<vmem>> -> memref<1x64x128xf32, #tpu.memory_space<vmem>>
      %dma_start3A_262 = tpu.memref_squeeze %dma_start3A_261 : memref<1x64x128xf32, #tpu.memory_space<vmem>> -> memref<64x128xf32, #tpu.memory_space<vmem>>
      %dma_start3A_263 = arith.constant 64 : i32
      %dma_start3A_264 = tpu.memref_slice %arg5[%dma_start3A_256, %dma_start3A_257, %dma_start3A_263] : memref<4x2x128xi32, #tpu.memory_space<vmem>> -> memref<1x1x64xi32, #tpu.memory_space<vmem>>
      %dma_start3A_265 = tpu.memref_squeeze %dma_start3A_264 : memref<1x1x64xi32, #tpu.memory_space<vmem>> -> memref<64xi32, #tpu.memory_space<vmem>>
      %dma_start3A_266 = arith.constant 0 : i32
      %dma_start3A_267 = arith.constant 0 : i32
      %dma_start3A_268 = tpu.memref_slice %arg2[%dma_start3A_266, %dma_start3A_267] : memref<10000x128xf32, #tpu.memory_space<hbm>> -> memref<10000x128xf32, #tpu.memory_space<hbm>>
      tpu.enqueue_indirect_dma source(%dma_start3A_268 : memref<10000x128xf32, #tpu.memory_space<hbm>>) target(%dma_start3A_262 : memref<64x128xf32, #tpu.memory_space<vmem>>) offsets(%dma_start3A_265 : memref<64xi32, #tpu.memory_space<vmem>>) semaphore(%arg15 : memref<!tpu.dma_semaphore, #tpu.memory_space<semaphore_mem>>)
      %dma_start3A_269 = arith.constant 0 : i32
      %dma_start3A_270 = arith.constant 0 : i32
      %dma_start3A_271 = arith.constant 0 : i32
      %dma_start3A_272 = arith.constant 0 : i32
      %dma_start3A_273 = arith.constant 0 : i32
      %dma_start3A_274 = tpu.memref_slice %arg6[%dma_start3A_269, %dma_start3A_272, %dma_start3A_273] : memref<2x128x128xf32, #tpu.memory_space<vmem>> -> memref<1x128x128xf32, #tpu.memory_space<vmem>>
      %dma_start3A_275 = tpu.memref_squeeze %dma_start3A_274 : memref<1x128x128xf32, #tpu.memory_space<vmem>> -> memref<128x128xf32, #tpu.memory_space<vmem>>
      %dma_start3A_276 = arith.constant 0 : i32
      %dma_start3A_277 = tpu.memref_slice %arg5[%dma_start3A_270, %dma_start3A_271, %dma_start3A_276] : memref<4x2x128xi32, #tpu.memory_space<vmem>> -> memref<1x1x128xi32, #tpu.memory_space<vmem>>
      %dma_start3A_278 = tpu.memref_squeeze %dma_start3A_277 : memref<1x1x128xi32, #tpu.memory_space<vmem>> -> memref<128xi32, #tpu.memory_space<vmem>>
      %dma_start3A_279 = arith.constant 0 : i32
      %dma_start3A_280 = arith.constant 0 : i32
      %dma_start3A_281 = tpu.memref_slice %arg7[%dma_start3A_279, %dma_start3A_280] : memref<10240x128xf32, #tpu.memory_space<vmem_shared>> -> memref<10240x128xf32, #tpu.memory_space<vmem_shared>>
      tpu.enqueue_indirect_dma source(%dma_start3A_275 : memref<128x128xf32, #tpu.memory_space<vmem>>) target(%dma_start3A_281 : memref<10240x128xf32, #tpu.memory_space<vmem_shared>>) offsets(%dma_start3A_278 : memref<128xi32, #tpu.memory_space<vmem>>) semaphore(%arg16 : memref<!tpu.dma_semaphore, #tpu.memory_space<semaphore_mem>>) {add = true}
      %add3A_282 = arith.constant 3 : i32
      %add3A_283 = arith.addi %add3A_222, %add3A_282 : i32
      %add3A_284 = arith.addi %mul3A_2, %add3A_283 : i32
      %dma_start3A_285 = arith.constant 3 : i32
      %dma_start3A_286 = arith.constant 0 : i32
      %dma_start3A_287 = arith.constant 0 : i32
      %dma_start3A_288 = tpu.memref_slice %arg5[%dma_start3A_285, %dma_start3A_286, %dma_start3A_287] : memref<4x2x128xi32, #tpu.memory_space<vmem>> -> memref<1x2x128xi32, #tpu.memory_space<vmem>>
      %dma_start3A_289 = tpu.memref_squeeze %dma_start3A_288 : memref<1x2x128xi32, #tpu.memory_space<vmem>> -> memref<2x128xi32, #tpu.memory_space<vmem>>
      %dma_start3A_290 = arith.constant 0 : i32
      %dma_start3A_291 = arith.constant 0 : i32
      %dma_start3A_292 = tpu.memref_slice %arg3[%add3A_284, %dma_start3A_290, %dma_start3A_291] : memref<2568x2x128xi32, #tpu.memory_space<hbm>> -> memref<1x2x128xi32, #tpu.memory_space<hbm>>
      %dma_start3A_293 = tpu.memref_squeeze %dma_start3A_292 : memref<1x2x128xi32, #tpu.memory_space<hbm>> -> memref<2x128xi32, #tpu.memory_space<hbm>>
      %dma_start3A_294 = arith.constant 0 : i32
      %dma_start3A_295 = arith.constant 0 : i32
      %dma_start3A_296 = tpu.memref_slice %arg5[%dma_start3A_285, %dma_start3A_294, %dma_start3A_295] : memref<4x2x128xi32, #tpu.memory_space<vmem>> -> memref<1x2x128xi32, #tpu.memory_space<vmem>>
      %dma_start3A_297 = tpu.memref_squeeze %dma_start3A_296 : memref<1x2x128xi32, #tpu.memory_space<vmem>> -> memref<2x128xi32, #tpu.memory_space<vmem>>
      %dma_start3A_298 = arith.constant 0 : i32
      %dma_start3A_299 = arith.constant 0 : i32
      %dma_start3A_300 = tpu.memref_slice %arg3[%add3A_284, %dma_start3A_298, %dma_start3A_299] : memref<2568x2x128xi32, #tpu.memory_space<hbm>> -> memref<1x2x128xi32, #tpu.memory_space<hbm>>
      %dma_start3A_301 = tpu.memref_squeeze %dma_start3A_300 : memref<1x2x128xi32, #tpu.memory_space<hbm>> -> memref<2x128xi32, #tpu.memory_space<hbm>>
      tpu.enqueue_dma source(%dma_start3A_301 : memref<2x128xi32, #tpu.memory_space<hbm>>) target(%dma_start3A_297 : memref<2x128xi32, #tpu.memory_space<vmem>>) target_semaphore(%arg11 : memref<!tpu.dma_semaphore, #tpu.memory_space<semaphore_mem>>)
      %dma_wait3A_302 = arith.constant 0 : i32
      %dma_wait3A_303 = arith.constant 0 : i32
      %dma_wait3A_304 = arith.constant 0 : i32
      %dma_wait3A_305 = arith.constant 0 : i32
      %dma_wait3A_306 = arith.constant 0 : i32
      %dma_wait3A_307 = tpu.memref_slice %arg6[%dma_wait3A_302, %dma_wait3A_305, %dma_wait3A_306] : memref<2x128x128xf32, #tpu.memory_space<vmem>> -> memref<1x128x128xf32, #tpu.memory_space<vmem>>
      %dma_wait3A_308 = tpu.memref_squeeze %dma_wait3A_307 : memref<1x128x128xf32, #tpu.memory_space<vmem>> -> memref<128x128xf32, #tpu.memory_space<vmem>>
      %dma_wait3A_309 = arith.constant 0 : i32
      %dma_wait3A_310 = tpu.memref_slice %arg5[%dma_wait3A_303, %dma_wait3A_304, %dma_wait3A_309] : memref<4x2x128xi32, #tpu.memory_space<vmem>> -> memref<1x1x128xi32, #tpu.memory_space<vmem>>
      %dma_wait3A_311 = tpu.memref_squeeze %dma_wait3A_310 : memref<1x1x128xi32, #tpu.memory_space<vmem>> -> memref<128xi32, #tpu.memory_space<vmem>>
      %dma_wait3A_312 = arith.constant 0 : i32
      %dma_wait3A_313 = arith.constant 0 : i32
      %dma_wait3A_314 = tpu.memref_slice %arg7[%dma_wait3A_312, %dma_wait3A_313] : memref<10240x128xf32, #tpu.memory_space<vmem_shared>> -> memref<10240x128xf32, #tpu.memory_space<vmem_shared>>
      tpu.wait_indirect_dma semaphore(%arg16 : memref<!tpu.dma_semaphore, #tpu.memory_space<semaphore_mem>>) src(%dma_wait3A_308 : memref<128x128xf32, #tpu.memory_space<vmem>>) dst(%dma_wait3A_314 : memref<10240x128xf32, #tpu.memory_space<vmem_shared>>)
      %dma_wait3A_315 = arith.constant 1 : i32
      %dma_wait3A_316 = arith.constant 1 : i32
      %dma_wait3A_317 = arith.constant 1 : i32
      %dma_wait3A_318 = arith.constant 0 : i32
      %dma_wait3A_319 = arith.constant 0 : i32
      %dma_wait3A_320 = tpu.memref_slice %arg6[%dma_wait3A_317, %dma_wait3A_318, %dma_wait3A_319] : memref<2x128x128xf32, #tpu.memory_space<vmem>> -> memref<1x64x128xf32, #tpu.memory_space<vmem>>
      %dma_wait3A_321 = tpu.memref_squeeze %dma_wait3A_320 : memref<1x64x128xf32, #tpu.memory_space<vmem>> -> memref<64x128xf32, #tpu.memory_space<vmem>>
      %dma_wait3A_322 = arith.constant 0 : i32
      %dma_wait3A_323 = tpu.memref_slice %arg5[%dma_wait3A_315, %dma_wait3A_316, %dma_wait3A_322] : memref<4x2x128xi32, #tpu.memory_space<vmem>> -> memref<1x1x64xi32, #tpu.memory_space<vmem>>
      %dma_wait3A_324 = tpu.memref_squeeze %dma_wait3A_323 : memref<1x1x64xi32, #tpu.memory_space<vmem>> -> memref<64xi32, #tpu.memory_space<vmem>>
      %dma_wait3A_325 = arith.constant 0 : i32
      %dma_wait3A_326 = arith.constant 0 : i32
      %dma_wait3A_327 = tpu.memref_slice %arg2[%dma_wait3A_325, %dma_wait3A_326] : memref<10000x128xf32, #tpu.memory_space<hbm>> -> memref<10000x128xf32, #tpu.memory_space<hbm>>
      tpu.wait_indirect_dma semaphore(%arg13 : memref<!tpu.dma_semaphore, #tpu.memory_space<semaphore_mem>>) src(%dma_wait3A_327 : memref<10000x128xf32, #tpu.memory_space<hbm>>) dst(%dma_wait3A_321 : memref<64x128xf32, #tpu.memory_space<vmem>>)
      %dma_wait3A_328 = arith.constant 1 : i32
      %dma_wait3A_329 = arith.constant 1 : i32
      %dma_wait3A_330 = arith.constant 1 : i32
      %dma_wait3A_331 = arith.constant 64 : i32
      %dma_wait3A_332 = arith.constant 0 : i32
      %dma_wait3A_333 = tpu.memref_slice %arg6[%dma_wait3A_330, %dma_wait3A_331, %dma_wait3A_332] : memref<2x128x128xf32, #tpu.memory_space<vmem>> -> memref<1x64x128xf32, #tpu.memory_space<vmem>>
      %dma_wait3A_334 = tpu.memref_squeeze %dma_wait3A_333 : memref<1x64x128xf32, #tpu.memory_space<vmem>> -> memref<64x128xf32, #tpu.memory_space<vmem>>
      %dma_wait3A_335 = arith.constant 64 : i32
      %dma_wait3A_336 = tpu.memref_slice %arg5[%dma_wait3A_328, %dma_wait3A_329, %dma_wait3A_335] : memref<4x2x128xi32, #tpu.memory_space<vmem>> -> memref<1x1x64xi32, #tpu.memory_space<vmem>>
      %dma_wait3A_337 = tpu.memref_squeeze %dma_wait3A_336 : memref<1x1x64xi32, #tpu.memory_space<vmem>> -> memref<64xi32, #tpu.memory_space<vmem>>
      %dma_wait3A_338 = arith.constant 0 : i32
      %dma_wait3A_339 = arith.constant 0 : i32
      %dma_wait3A_340 = tpu.memref_slice %arg2[%dma_wait3A_338, %dma_wait3A_339] : memref<10000x128xf32, #tpu.memory_space<hbm>> -> memref<10000x128xf32, #tpu.memory_space<hbm>>
      tpu.wait_indirect_dma semaphore(%arg15 : memref<!tpu.dma_semaphore, #tpu.memory_space<semaphore_mem>>) src(%dma_wait3A_340 : memref<10000x128xf32, #tpu.memory_space<hbm>>) dst(%dma_wait3A_334 : memref<64x128xf32, #tpu.memory_space<vmem>>)
      %mul3A_341 = arith.constant 4 : i32
      %mul3A_342 = arith.muli %scan3A_218, %mul3A_341 : i32
      %add3A_343 = arith.constant 1 : i32
      %add3A_344 = arith.addi %mul3A_342, %add3A_343 : i32
      %add3A_345 = arith.constant 1 : i32
      %add3A_346 = arith.addi %add3A_344, %add3A_345 : i32
      %add3A_347 = arith.addi %mul3A_2, %add3A_346 : i32
      %dma_wait3A_348 = arith.constant 2 : i32
      %dma_wait3A_349 = arith.constant 0 : i32
      %dma_wait3A_350 = arith.constant 0 : i32
      %dma_wait3A_351 = tpu.memref_slice %arg5[%dma_wait3A_348, %dma_wait3A_349, %dma_wait3A_350] : memref<4x2x128xi32, #tpu.memory_space<vmem>> -> memref<1x2x128xi32, #tpu.memory_space<vmem>>
      %dma_wait3A_352 = tpu.memref_squeeze %dma_wait3A_351 : memref<1x2x128xi32, #tpu.memory_space<vmem>> -> memref<2x128xi32, #tpu.memory_space<vmem>>
      %dma_wait3A_353 = arith.constant 0 : i32
      %dma_wait3A_354 = arith.constant 0 : i32
      %dma_wait3A_355 = tpu.memref_slice %arg3[%add3A_347, %dma_wait3A_353, %dma_wait3A_354] : memref<2568x2x128xi32, #tpu.memory_space<hbm>> -> memref<1x2x128xi32, #tpu.memory_space<hbm>>
      %dma_wait3A_356 = tpu.memref_squeeze %dma_wait3A_355 : memref<1x2x128xi32, #tpu.memory_space<hbm>> -> memref<2x128xi32, #tpu.memory_space<hbm>>
      %dma_wait3A_357 = arith.constant 0 : i32
      %dma_wait3A_358 = arith.constant 0 : i32
      %dma_wait3A_359 = tpu.memref_slice %arg5[%dma_wait3A_348, %dma_wait3A_357, %dma_wait3A_358] : memref<4x2x128xi32, #tpu.memory_space<vmem>> -> memref<1x2x128xi32, #tpu.memory_space<vmem>>
      %dma_wait3A_360 = tpu.memref_squeeze %dma_wait3A_359 : memref<1x2x128xi32, #tpu.memory_space<vmem>> -> memref<2x128xi32, #tpu.memory_space<vmem>>
      %dma_wait3A_361 = arith.constant 0 : i32
      %dma_wait3A_362 = arith.constant 0 : i32
      %dma_wait3A_363 = tpu.memref_slice %arg3[%add3A_347, %dma_wait3A_361, %dma_wait3A_362] : memref<2568x2x128xi32, #tpu.memory_space<hbm>> -> memref<1x2x128xi32, #tpu.memory_space<hbm>>
      %dma_wait3A_364 = tpu.memref_squeeze %dma_wait3A_363 : memref<1x2x128xi32, #tpu.memory_space<hbm>> -> memref<2x128xi32, #tpu.memory_space<hbm>>
      tpu.wait_dma2 semaphore(%arg10 : memref<!tpu.dma_semaphore, #tpu.memory_space<semaphore_mem>>) src(%dma_wait3A_364 : memref<2x128xi32, #tpu.memory_space<hbm>>) dst(%dma_wait3A_360 : memref<2x128xi32, #tpu.memory_space<vmem>>)
      %dma_start3A_365 = arith.constant 2 : i32
      %dma_start3A_366 = arith.constant 1 : i32
      %dma_start3A_367 = arith.constant 0 : i32
      %dma_start3A_368 = arith.constant 0 : i32
      %dma_start3A_369 = arith.constant 0 : i32
      %dma_start3A_370 = tpu.memref_slice %arg6[%dma_start3A_367, %dma_start3A_368, %dma_start3A_369] : memref<2x128x128xf32, #tpu.memory_space<vmem>> -> memref<1x64x128xf32, #tpu.memory_space<vmem>>
      %dma_start3A_371 = tpu.memref_squeeze %dma_start3A_370 : memref<1x64x128xf32, #tpu.memory_space<vmem>> -> memref<64x128xf32, #tpu.memory_space<vmem>>
      %dma_start3A_372 = arith.constant 0 : i32
      %dma_start3A_373 = tpu.memref_slice %arg5[%dma_start3A_365, %dma_start3A_366, %dma_start3A_372] : memref<4x2x128xi32, #tpu.memory_space<vmem>> -> memref<1x1x64xi32, #tpu.memory_space<vmem>>
      %dma_start3A_374 = tpu.memref_squeeze %dma_start3A_373 : memref<1x1x64xi32, #tpu.memory_space<vmem>> -> memref<64xi32, #tpu.memory_space<vmem>>
      %dma_start3A_375 = arith.constant 0 : i32
      %dma_start3A_376 = arith.constant 0 : i32
      %dma_start3A_377 = tpu.memref_slice %arg2[%dma_start3A_375, %dma_start3A_376] : memref<10000x128xf32, #tpu.memory_space<hbm>> -> memref<10000x128xf32, #tpu.memory_space<hbm>>
      tpu.enqueue_indirect_dma source(%dma_start3A_377 : memref<10000x128xf32, #tpu.memory_space<hbm>>) target(%dma_start3A_371 : memref<64x128xf32, #tpu.memory_space<vmem>>) offsets(%dma_start3A_374 : memref<64xi32, #tpu.memory_space<vmem>>) semaphore(%arg12 : memref<!tpu.dma_semaphore, #tpu.memory_space<semaphore_mem>>)
      %dma_start3A_378 = arith.constant 2 : i32
      %dma_start3A_379 = arith.constant 1 : i32
      %dma_start3A_380 = arith.constant 0 : i32
      %dma_start3A_381 = arith.constant 64 : i32
      %dma_start3A_382 = arith.constant 0 : i32
      %dma_start3A_383 = tpu.memref_slice %arg6[%dma_start3A_380, %dma_start3A_381, %dma_start3A_382] : memref<2x128x128xf32, #tpu.memory_space<vmem>> -> memref<1x64x128xf32, #tpu.memory_space<vmem>>
      %dma_start3A_384 = tpu.memref_squeeze %dma_start3A_383 : memref<1x64x128xf32, #tpu.memory_space<vmem>> -> memref<64x128xf32, #tpu.memory_space<vmem>>
      %dma_start3A_385 = arith.constant 64 : i32
      %dma_start3A_386 = tpu.memref_slice %arg5[%dma_start3A_378, %dma_start3A_379, %dma_start3A_385] : memref<4x2x128xi32, #tpu.memory_space<vmem>> -> memref<1x1x64xi32, #tpu.memory_space<vmem>>
      %dma_start3A_387 = tpu.memref_squeeze %dma_start3A_386 : memref<1x1x64xi32, #tpu.memory_space<vmem>> -> memref<64xi32, #tpu.memory_space<vmem>>
      %dma_start3A_388 = arith.constant 0 : i32
      %dma_start3A_389 = arith.constant 0 : i32
      %dma_start3A_390 = tpu.memref_slice %arg2[%dma_start3A_388, %dma_start3A_389] : memref<10000x128xf32, #tpu.memory_space<hbm>> -> memref<10000x128xf32, #tpu.memory_space<hbm>>
      tpu.enqueue_indirect_dma source(%dma_start3A_390 : memref<10000x128xf32, #tpu.memory_space<hbm>>) target(%dma_start3A_384 : memref<64x128xf32, #tpu.memory_space<vmem>>) offsets(%dma_start3A_387 : memref<64xi32, #tpu.memory_space<vmem>>) semaphore(%arg14 : memref<!tpu.dma_semaphore, #tpu.memory_space<semaphore_mem>>)
      %dma_start3A_391 = arith.constant 1 : i32
      %dma_start3A_392 = arith.constant 1 : i32
      %dma_start3A_393 = arith.constant 0 : i32
      %dma_start3A_394 = arith.constant 0 : i32
      %dma_start3A_395 = arith.constant 0 : i32
      %dma_start3A_396 = tpu.memref_slice %arg6[%dma_start3A_391, %dma_start3A_394, %dma_start3A_395] : memref<2x128x128xf32, #tpu.memory_space<vmem>> -> memref<1x128x128xf32, #tpu.memory_space<vmem>>
      %dma_start3A_397 = tpu.memref_squeeze %dma_start3A_396 : memref<1x128x128xf32, #tpu.memory_space<vmem>> -> memref<128x128xf32, #tpu.memory_space<vmem>>
      %dma_start3A_398 = arith.constant 0 : i32
      %dma_start3A_399 = tpu.memref_slice %arg5[%dma_start3A_392, %dma_start3A_393, %dma_start3A_398] : memref<4x2x128xi32, #tpu.memory_space<vmem>> -> memref<1x1x128xi32, #tpu.memory_space<vmem>>
      %dma_start3A_400 = tpu.memref_squeeze %dma_start3A_399 : memref<1x1x128xi32, #tpu.memory_space<vmem>> -> memref<128xi32, #tpu.memory_space<vmem>>
      %dma_start3A_401 = arith.constant 0 : i32
      %dma_start3A_402 = arith.constant 0 : i32
      %dma_start3A_403 = tpu.memref_slice %arg7[%dma_start3A_401, %dma_start3A_402] : memref<10240x128xf32, #tpu.memory_space<vmem_shared>> -> memref<10240x128xf32, #tpu.memory_space<vmem_shared>>
      tpu.enqueue_indirect_dma source(%dma_start3A_397 : memref<128x128xf32, #tpu.memory_space<vmem>>) target(%dma_start3A_403 : memref<10240x128xf32, #tpu.memory_space<vmem_shared>>) offsets(%dma_start3A_400 : memref<128xi32, #tpu.memory_space<vmem>>) semaphore(%arg16 : memref<!tpu.dma_semaphore, #tpu.memory_space<semaphore_mem>>) {add = true}
      %add3A_404 = arith.constant 3 : i32
      %add3A_405 = arith.addi %add3A_344, %add3A_404 : i32
      %add3A_406 = arith.addi %mul3A_2, %add3A_405 : i32
      %dma_start3A_407 = arith.constant 0 : i32
      %dma_start3A_408 = arith.constant 0 : i32
      %dma_start3A_409 = arith.constant 0 : i32
      %dma_start3A_410 = tpu.memref_slice %arg5[%dma_start3A_407, %dma_start3A_408, %dma_start3A_409] : memref<4x2x128xi32, #tpu.memory_space<vmem>> -> memref<1x2x128xi32, #tpu.memory_space<vmem>>
      %dma_start3A_411 = tpu.memref_squeeze %dma_start3A_410 : memref<1x2x128xi32, #tpu.memory_space<vmem>> -> memref<2x128xi32, #tpu.memory_space<vmem>>
      %dma_start3A_412 = arith.constant 0 : i32
      %dma_start3A_413 = arith.constant 0 : i32
      %dma_start3A_414 = tpu.memref_slice %arg3[%add3A_406, %dma_start3A_412, %dma_start3A_413] : memref<2568x2x128xi32, #tpu.memory_space<hbm>> -> memref<1x2x128xi32, #tpu.memory_space<hbm>>
      %dma_start3A_415 = tpu.memref_squeeze %dma_start3A_414 : memref<1x2x128xi32, #tpu.memory_space<hbm>> -> memref<2x128xi32, #tpu.memory_space<hbm>>
      %dma_start3A_416 = arith.constant 0 : i32
      %dma_start3A_417 = arith.constant 0 : i32
      %dma_start3A_418 = tpu.memref_slice %arg5[%dma_start3A_407, %dma_start3A_416, %dma_start3A_417] : memref<4x2x128xi32, #tpu.memory_space<vmem>> -> memref<1x2x128xi32, #tpu.memory_space<vmem>>
      %dma_start3A_419 = tpu.memref_squeeze %dma_start3A_418 : memref<1x2x128xi32, #tpu.memory_space<vmem>> -> memref<2x128xi32, #tpu.memory_space<vmem>>
      %dma_start3A_420 = arith.constant 0 : i32
      %dma_start3A_421 = arith.constant 0 : i32
      %dma_start3A_422 = tpu.memref_slice %arg3[%add3A_406, %dma_start3A_420, %dma_start3A_421] : memref<2568x2x128xi32, #tpu.memory_space<hbm>> -> memref<1x2x128xi32, #tpu.memory_space<hbm>>
      %dma_start3A_423 = tpu.memref_squeeze %dma_start3A_422 : memref<1x2x128xi32, #tpu.memory_space<hbm>> -> memref<2x128xi32, #tpu.memory_space<hbm>>
      tpu.enqueue_dma source(%dma_start3A_423 : memref<2x128xi32, #tpu.memory_space<hbm>>) target(%dma_start3A_419 : memref<2x128xi32, #tpu.memory_space<vmem>>) target_semaphore(%arg8 : memref<!tpu.dma_semaphore, #tpu.memory_space<semaphore_mem>>)
      %dma_wait3A_424 = arith.constant 1 : i32
      %dma_wait3A_425 = arith.constant 1 : i32
      %dma_wait3A_426 = arith.constant 0 : i32
      %dma_wait3A_427 = arith.constant 0 : i32
      %dma_wait3A_428 = arith.constant 0 : i32
      %dma_wait3A_429 = tpu.memref_slice %arg6[%dma_wait3A_424, %dma_wait3A_427, %dma_wait3A_428] : memref<2x128x128xf32, #tpu.memory_space<vmem>> -> memref<1x128x128xf32, #tpu.memory_space<vmem>>
      %dma_wait3A_430 = tpu.memref_squeeze %dma_wait3A_429 : memref<1x128x128xf32, #tpu.memory_space<vmem>> -> memref<128x128xf32, #tpu.memory_space<vmem>>
      %dma_wait3A_431 = arith.constant 0 : i32
      %dma_wait3A_432 = tpu.memref_slice %arg5[%dma_wait3A_425, %dma_wait3A_426, %dma_wait3A_431] : memref<4x2x128xi32, #tpu.memory_space<vmem>> -> memref<1x1x128xi32, #tpu.memory_space<vmem>>
      %dma_wait3A_433 = tpu.memref_squeeze %dma_wait3A_432 : memref<1x1x128xi32, #tpu.memory_space<vmem>> -> memref<128xi32, #tpu.memory_space<vmem>>
      %dma_wait3A_434 = arith.constant 0 : i32
      %dma_wait3A_435 = arith.constant 0 : i32
      %dma_wait3A_436 = tpu.memref_slice %arg7[%dma_wait3A_434, %dma_wait3A_435] : memref<10240x128xf32, #tpu.memory_space<vmem_shared>> -> memref<10240x128xf32, #tpu.memory_space<vmem_shared>>
      tpu.wait_indirect_dma semaphore(%arg16 : memref<!tpu.dma_semaphore, #tpu.memory_space<semaphore_mem>>) src(%dma_wait3A_430 : memref<128x128xf32, #tpu.memory_space<vmem>>) dst(%dma_wait3A_436 : memref<10240x128xf32, #tpu.memory_space<vmem_shared>>)
      %dma_wait3A_437 = arith.constant 2 : i32
      %dma_wait3A_438 = arith.constant 1 : i32
      %dma_wait3A_439 = arith.constant 0 : i32
      %dma_wait3A_440 = arith.constant 0 : i32
      %dma_wait3A_441 = arith.constant 0 : i32
      %dma_wait3A_442 = tpu.memref_slice %arg6[%dma_wait3A_439, %dma_wait3A_440, %dma_wait3A_441] : memref<2x128x128xf32, #tpu.memory_space<vmem>> -> memref<1x64x128xf32, #tpu.memory_space<vmem>>
      %dma_wait3A_443 = tpu.memref_squeeze %dma_wait3A_442 : memref<1x64x128xf32, #tpu.memory_space<vmem>> -> memref<64x128xf32, #tpu.memory_space<vmem>>
      %dma_wait3A_444 = arith.constant 0 : i32
      %dma_wait3A_445 = tpu.memref_slice %arg5[%dma_wait3A_437, %dma_wait3A_438, %dma_wait3A_444] : memref<4x2x128xi32, #tpu.memory_space<vmem>> -> memref<1x1x64xi32, #tpu.memory_space<vmem>>
      %dma_wait3A_446 = tpu.memref_squeeze %dma_wait3A_445 : memref<1x1x64xi32, #tpu.memory_space<vmem>> -> memref<64xi32, #tpu.memory_space<vmem>>
      %dma_wait3A_447 = arith.constant 0 : i32
      %dma_wait3A_448 = arith.constant 0 : i32
      %dma_wait3A_449 = tpu.memref_slice %arg2[%dma_wait3A_447, %dma_wait3A_448] : memref<10000x128xf32, #tpu.memory_space<hbm>> -> memref<10000x128xf32, #tpu.memory_space<hbm>>
      tpu.wait_indirect_dma semaphore(%arg12 : memref<!tpu.dma_semaphore, #tpu.memory_space<semaphore_mem>>) src(%dma_wait3A_449 : memref<10000x128xf32, #tpu.memory_space<hbm>>) dst(%dma_wait3A_443 : memref<64x128xf32, #tpu.memory_space<vmem>>)
      %dma_wait3A_450 = arith.constant 2 : i32
      %dma_wait3A_451 = arith.constant 1 : i32
      %dma_wait3A_452 = arith.constant 0 : i32
      %dma_wait3A_453 = arith.constant 64 : i32
      %dma_wait3A_454 = arith.constant 0 : i32
      %dma_wait3A_455 = tpu.memref_slice %arg6[%dma_wait3A_452, %dma_wait3A_453, %dma_wait3A_454] : memref<2x128x128xf32, #tpu.memory_space<vmem>> -> memref<1x64x128xf32, #tpu.memory_space<vmem>>
      %dma_wait3A_456 = tpu.memref_squeeze %dma_wait3A_455 : memref<1x64x128xf32, #tpu.memory_space<vmem>> -> memref<64x128xf32, #tpu.memory_space<vmem>>
      %dma_wait3A_457 = arith.constant 64 : i32
      %dma_wait3A_458 = tpu.memref_slice %arg5[%dma_wait3A_450, %dma_wait3A_451, %dma_wait3A_457] : memref<4x2x128xi32, #tpu.memory_space<vmem>> -> memref<1x1x64xi32, #tpu.memory_space<vmem>>
      %dma_wait3A_459 = tpu.memref_squeeze %dma_wait3A_458 : memref<1x1x64xi32, #tpu.memory_space<vmem>> -> memref<64xi32, #tpu.memory_space<vmem>>
      %dma_wait3A_460 = arith.constant 0 : i32
      %dma_wait3A_461 = arith.constant 0 : i32
      %dma_wait3A_462 = tpu.memref_slice %arg2[%dma_wait3A_460, %dma_wait3A_461] : memref<10000x128xf32, #tpu.memory_space<hbm>> -> memref<10000x128xf32, #tpu.memory_space<hbm>>
      tpu.wait_indirect_dma semaphore(%arg14 : memref<!tpu.dma_semaphore, #tpu.memory_space<semaphore_mem>>) src(%dma_wait3A_462 : memref<10000x128xf32, #tpu.memory_space<hbm>>) dst(%dma_wait3A_456 : memref<64x128xf32, #tpu.memory_space<vmem>>)
      %mul3A_463 = arith.constant 4 : i32
      %mul3A_464 = arith.muli %scan3A_218, %mul3A_463 : i32
      %add3A_465 = arith.constant 2 : i32
      %add3A_466 = arith.addi %mul3A_464, %add3A_465 : i32
      %add3A_467 = arith.constant 1 : i32
      %add3A_468 = arith.addi %add3A_466, %add3A_467 : i32
      %add3A_469 = arith.addi %mul3A_2, %add3A_468 : i32
      %dma_wait3A_470 = arith.constant 3 : i32
      %dma_wait3A_471 = arith.constant 0 : i32
      %dma_wait3A_472 = arith.constant 0 : i32
      %dma_wait3A_473 = tpu.memref_slice %arg5[%dma_wait3A_470, %dma_wait3A_471, %dma_wait3A_472] : memref<4x2x128xi32, #tpu.memory_space<vmem>> -> memref<1x2x128xi32, #tpu.memory_space<vmem>>
      %dma_wait3A_474 = tpu.memref_squeeze %dma_wait3A_473 : memref<1x2x128xi32, #tpu.memory_space<vmem>> -> memref<2x128xi32, #tpu.memory_space<vmem>>
      %dma_wait3A_475 = arith.constant 0 : i32
      %dma_wait3A_476 = arith.constant 0 : i32
      %dma_wait3A_477 = tpu.memref_slice %arg3[%add3A_469, %dma_wait3A_475, %dma_wait3A_476] : memref<2568x2x128xi32, #tpu.memory_space<hbm>> -> memref<1x2x128xi32, #tpu.memory_space<hbm>>
      %dma_wait3A_478 = tpu.memref_squeeze %dma_wait3A_477 : memref<1x2x128xi32, #tpu.memory_space<hbm>> -> memref<2x128xi32, #tpu.memory_space<hbm>>
      %dma_wait3A_479 = arith.constant 0 : i32
      %dma_wait3A_480 = arith.constant 0 : i32
      %dma_wait3A_481 = tpu.memref_slice %arg5[%dma_wait3A_470, %dma_wait3A_479, %dma_wait3A_480] : memref<4x2x128xi32, #tpu.memory_space<vmem>> -> memref<1x2x128xi32, #tpu.memory_space<vmem>>
      %dma_wait3A_482 = tpu.memref_squeeze %dma_wait3A_481 : memref<1x2x128xi32, #tpu.memory_space<vmem>> -> memref<2x128xi32, #tpu.memory_space<vmem>>
      %dma_wait3A_483 = arith.constant 0 : i32
      %dma_wait3A_484 = arith.constant 0 : i32
      %dma_wait3A_485 = tpu.memref_slice %arg3[%add3A_469, %dma_wait3A_483, %dma_wait3A_484] : memref<2568x2x128xi32, #tpu.memory_space<hbm>> -> memref<1x2x128xi32, #tpu.memory_space<hbm>>
      %dma_wait3A_486 = tpu.memref_squeeze %dma_wait3A_485 : memref<1x2x128xi32, #tpu.memory_space<hbm>> -> memref<2x128xi32, #tpu.memory_space<hbm>>
      tpu.wait_dma2 semaphore(%arg11 : memref<!tpu.dma_semaphore, #tpu.memory_space<semaphore_mem>>) src(%dma_wait3A_486 : memref<2x128xi32, #tpu.memory_space<hbm>>) dst(%dma_wait3A_482 : memref<2x128xi32, #tpu.memory_space<vmem>>)
      %dma_start3A_487 = arith.constant 3 : i32
      %dma_start3A_488 = arith.constant 1 : i32
      %dma_start3A_489 = arith.constant 1 : i32
      %dma_start3A_490 = arith.constant 0 : i32
      %dma_start3A_491 = arith.constant 0 : i32
      %dma_start3A_492 = tpu.memref_slice %arg6[%dma_start3A_489, %dma_start3A_490, %dma_start3A_491] : memref<2x128x128xf32, #tpu.memory_space<vmem>> -> memref<1x64x128xf32, #tpu.memory_space<vmem>>
      %dma_start3A_493 = tpu.memref_squeeze %dma_start3A_492 : memref<1x64x128xf32, #tpu.memory_space<vmem>> -> memref<64x128xf32, #tpu.memory_space<vmem>>
      %dma_start3A_494 = arith.constant 0 : i32
      %dma_start3A_495 = tpu.memref_slice %arg5[%dma_start3A_487, %dma_start3A_488, %dma_start3A_494] : memref<4x2x128xi32, #tpu.memory_space<vmem>> -> memref<1x1x64xi32, #tpu.memory_space<vmem>>
      %dma_start3A_496 = tpu.memref_squeeze %dma_start3A_495 : memref<1x1x64xi32, #tpu.memory_space<vmem>> -> memref<64xi32, #tpu.memory_space<vmem>>
      %dma_start3A_497 = arith.constant 0 : i32
      %dma_start3A_498 = arith.constant 0 : i32
      %dma_start3A_499 = tpu.memref_slice %arg2[%dma_start3A_497, %dma_start3A_498] : memref<10000x128xf32, #tpu.memory_space<hbm>> -> memref<10000x128xf32, #tpu.memory_space<hbm>>
      tpu.enqueue_indirect_dma source(%dma_start3A_499 : memref<10000x128xf32, #tpu.memory_space<hbm>>) target(%dma_start3A_493 : memref<64x128xf32, #tpu.memory_space<vmem>>) offsets(%dma_start3A_496 : memref<64xi32, #tpu.memory_space<vmem>>) semaphore(%arg13 : memref<!tpu.dma_semaphore, #tpu.memory_space<semaphore_mem>>)
      %dma_start3A_500 = arith.constant 3 : i32
      %dma_start3A_501 = arith.constant 1 : i32
      %dma_start3A_502 = arith.constant 1 : i32
      %dma_start3A_503 = arith.constant 64 : i32
      %dma_start3A_504 = arith.constant 0 : i32
      %dma_start3A_505 = tpu.memref_slice %arg6[%dma_start3A_502, %dma_start3A_503, %dma_start3A_504] : memref<2x128x128xf32, #tpu.memory_space<vmem>> -> memref<1x64x128xf32, #tpu.memory_space<vmem>>
      %dma_start3A_506 = tpu.memref_squeeze %dma_start3A_505 : memref<1x64x128xf32, #tpu.memory_space<vmem>> -> memref<64x128xf32, #tpu.memory_space<vmem>>
      %dma_start3A_507 = arith.constant 64 : i32
      %dma_start3A_508 = tpu.memref_slice %arg5[%dma_start3A_500, %dma_start3A_501, %dma_start3A_507] : memref<4x2x128xi32, #tpu.memory_space<vmem>> -> memref<1x1x64xi32, #tpu.memory_space<vmem>>
      %dma_start3A_509 = tpu.memref_squeeze %dma_start3A_508 : memref<1x1x64xi32, #tpu.memory_space<vmem>> -> memref<64xi32, #tpu.memory_space<vmem>>
      %dma_start3A_510 = arith.constant 0 : i32
      %dma_start3A_511 = arith.constant 0 : i32
      %dma_start3A_512 = tpu.memref_slice %arg2[%dma_start3A_510, %dma_start3A_511] : memref<10000x128xf32, #tpu.memory_space<hbm>> -> memref<10000x128xf32, #tpu.memory_space<hbm>>
      tpu.enqueue_indirect_dma source(%dma_start3A_512 : memref<10000x128xf32, #tpu.memory_space<hbm>>) target(%dma_start3A_506 : memref<64x128xf32, #tpu.memory_space<vmem>>) offsets(%dma_start3A_509 : memref<64xi32, #tpu.memory_space<vmem>>) semaphore(%arg15 : memref<!tpu.dma_semaphore, #tpu.memory_space<semaphore_mem>>)
      %dma_start3A_513 = arith.constant 0 : i32
      %dma_start3A_514 = arith.constant 2 : i32
      %dma_start3A_515 = arith.constant 0 : i32
      %dma_start3A_516 = arith.constant 0 : i32
      %dma_start3A_517 = arith.constant 0 : i32
      %dma_start3A_518 = tpu.memref_slice %arg6[%dma_start3A_513, %dma_start3A_516, %dma_start3A_517] : memref<2x128x128xf32, #tpu.memory_space<vmem>> -> memref<1x128x128xf32, #tpu.memory_space<vmem>>
      %dma_start3A_519 = tpu.memref_squeeze %dma_start3A_518 : memref<1x128x128xf32, #tpu.memory_space<vmem>> -> memref<128x128xf32, #tpu.memory_space<vmem>>
      %dma_start3A_520 = arith.constant 0 : i32
      %dma_start3A_521 = tpu.memref_slice %arg5[%dma_start3A_514, %dma_start3A_515, %dma_start3A_520] : memref<4x2x128xi32, #tpu.memory_space<vmem>> -> memref<1x1x128xi32, #tpu.memory_space<vmem>>
      %dma_start3A_522 = tpu.memref_squeeze %dma_start3A_521 : memref<1x1x128xi32, #tpu.memory_space<vmem>> -> memref<128xi32, #tpu.memory_space<vmem>>
      %dma_start3A_523 = arith.constant 0 : i32
      %dma_start3A_524 = arith.constant 0 : i32
      %dma_start3A_525 = tpu.memref_slice %arg7[%dma_start3A_523, %dma_start3A_524] : memref<10240x128xf32, #tpu.memory_space<vmem_shared>> -> memref<10240x128xf32, #tpu.memory_space<vmem_shared>>
      tpu.enqueue_indirect_dma source(%dma_start3A_519 : memref<128x128xf32, #tpu.memory_space<vmem>>) target(%dma_start3A_525 : memref<10240x128xf32, #tpu.memory_space<vmem_shared>>) offsets(%dma_start3A_522 : memref<128xi32, #tpu.memory_space<vmem>>) semaphore(%arg16 : memref<!tpu.dma_semaphore, #tpu.memory_space<semaphore_mem>>) {add = true}
      %add3A_526 = arith.constant 3 : i32
      %add3A_527 = arith.addi %add3A_466, %add3A_526 : i32
      %add3A_528 = arith.addi %mul3A_2, %add3A_527 : i32
      %dma_start3A_529 = arith.constant 1 : i32
      %dma_start3A_530 = arith.constant 0 : i32
      %dma_start3A_531 = arith.constant 0 : i32
      %dma_start3A_532 = tpu.memref_slice %arg5[%dma_start3A_529, %dma_start3A_530, %dma_start3A_531] : memref<4x2x128xi32, #tpu.memory_space<vmem>> -> memref<1x2x128xi32, #tpu.memory_space<vmem>>
      %dma_start3A_533 = tpu.memref_squeeze %dma_start3A_532 : memref<1x2x128xi32, #tpu.memory_space<vmem>> -> memref<2x128xi32, #tpu.memory_space<vmem>>
      %dma_start3A_534 = arith.constant 0 : i32
      %dma_start3A_535 = arith.constant 0 : i32
      %dma_start3A_536 = tpu.memref_slice %arg3[%add3A_528, %dma_start3A_534, %dma_start3A_535] : memref<2568x2x128xi32, #tpu.memory_space<hbm>> -> memref<1x2x128xi32, #tpu.memory_space<hbm>>
      %dma_start3A_537 = tpu.memref_squeeze %dma_start3A_536 : memref<1x2x128xi32, #tpu.memory_space<hbm>> -> memref<2x128xi32, #tpu.memory_space<hbm>>
      %dma_start3A_538 = arith.constant 0 : i32
      %dma_start3A_539 = arith.constant 0 : i32
      %dma_start3A_540 = tpu.memref_slice %arg5[%dma_start3A_529, %dma_start3A_538, %dma_start3A_539] : memref<4x2x128xi32, #tpu.memory_space<vmem>> -> memref<1x2x128xi32, #tpu.memory_space<vmem>>
      %dma_start3A_541 = tpu.memref_squeeze %dma_start3A_540 : memref<1x2x128xi32, #tpu.memory_space<vmem>> -> memref<2x128xi32, #tpu.memory_space<vmem>>
      %dma_start3A_542 = arith.constant 0 : i32
      %dma_start3A_543 = arith.constant 0 : i32
      %dma_start3A_544 = tpu.memref_slice %arg3[%add3A_528, %dma_start3A_542, %dma_start3A_543] : memref<2568x2x128xi32, #tpu.memory_space<hbm>> -> memref<1x2x128xi32, #tpu.memory_space<hbm>>
      %dma_start3A_545 = tpu.memref_squeeze %dma_start3A_544 : memref<1x2x128xi32, #tpu.memory_space<hbm>> -> memref<2x128xi32, #tpu.memory_space<hbm>>
      tpu.enqueue_dma source(%dma_start3A_545 : memref<2x128xi32, #tpu.memory_space<hbm>>) target(%dma_start3A_541 : memref<2x128xi32, #tpu.memory_space<vmem>>) target_semaphore(%arg9 : memref<!tpu.dma_semaphore, #tpu.memory_space<semaphore_mem>>)
      %dma_wait3A_546 = arith.constant 0 : i32
      %dma_wait3A_547 = arith.constant 2 : i32
      %dma_wait3A_548 = arith.constant 0 : i32
      %dma_wait3A_549 = arith.constant 0 : i32
      %dma_wait3A_550 = arith.constant 0 : i32
      %dma_wait3A_551 = tpu.memref_slice %arg6[%dma_wait3A_546, %dma_wait3A_549, %dma_wait3A_550] : memref<2x128x128xf32, #tpu.memory_space<vmem>> -> memref<1x128x128xf32, #tpu.memory_space<vmem>>
      %dma_wait3A_552 = tpu.memref_squeeze %dma_wait3A_551 : memref<1x128x128xf32, #tpu.memory_space<vmem>> -> memref<128x128xf32, #tpu.memory_space<vmem>>
      %dma_wait3A_553 = arith.constant 0 : i32
      %dma_wait3A_554 = tpu.memref_slice %arg5[%dma_wait3A_547, %dma_wait3A_548, %dma_wait3A_553] : memref<4x2x128xi32, #tpu.memory_space<vmem>> -> memref<1x1x128xi32, #tpu.memory_space<vmem>>
      %dma_wait3A_555 = tpu.memref_squeeze %dma_wait3A_554 : memref<1x1x128xi32, #tpu.memory_space<vmem>> -> memref<128xi32, #tpu.memory_space<vmem>>
      %dma_wait3A_556 = arith.constant 0 : i32
      %dma_wait3A_557 = arith.constant 0 : i32
      %dma_wait3A_558 = tpu.memref_slice %arg7[%dma_wait3A_556, %dma_wait3A_557] : memref<10240x128xf32, #tpu.memory_space<vmem_shared>> -> memref<10240x128xf32, #tpu.memory_space<vmem_shared>>
      tpu.wait_indirect_dma semaphore(%arg16 : memref<!tpu.dma_semaphore, #tpu.memory_space<semaphore_mem>>) src(%dma_wait3A_552 : memref<128x128xf32, #tpu.memory_space<vmem>>) dst(%dma_wait3A_558 : memref<10240x128xf32, #tpu.memory_space<vmem_shared>>)
      %dma_wait3A_559 = arith.constant 3 : i32
      %dma_wait3A_560 = arith.constant 1 : i32
      %dma_wait3A_561 = arith.constant 1 : i32
      %dma_wait3A_562 = arith.constant 0 : i32
      %dma_wait3A_563 = arith.constant 0 : i32
      %dma_wait3A_564 = tpu.memref_slice %arg6[%dma_wait3A_561, %dma_wait3A_562, %dma_wait3A_563] : memref<2x128x128xf32, #tpu.memory_space<vmem>> -> memref<1x64x128xf32, #tpu.memory_space<vmem>>
      %dma_wait3A_565 = tpu.memref_squeeze %dma_wait3A_564 : memref<1x64x128xf32, #tpu.memory_space<vmem>> -> memref<64x128xf32, #tpu.memory_space<vmem>>
      %dma_wait3A_566 = arith.constant 0 : i32
      %dma_wait3A_567 = tpu.memref_slice %arg5[%dma_wait3A_559, %dma_wait3A_560, %dma_wait3A_566] : memref<4x2x128xi32, #tpu.memory_space<vmem>> -> memref<1x1x64xi32, #tpu.memory_space<vmem>>
      %dma_wait3A_568 = tpu.memref_squeeze %dma_wait3A_567 : memref<1x1x64xi32, #tpu.memory_space<vmem>> -> memref<64xi32, #tpu.memory_space<vmem>>
      %dma_wait3A_569 = arith.constant 0 : i32
      %dma_wait3A_570 = arith.constant 0 : i32
      %dma_wait3A_571 = tpu.memref_slice %arg2[%dma_wait3A_569, %dma_wait3A_570] : memref<10000x128xf32, #tpu.memory_space<hbm>> -> memref<10000x128xf32, #tpu.memory_space<hbm>>
      tpu.wait_indirect_dma semaphore(%arg13 : memref<!tpu.dma_semaphore, #tpu.memory_space<semaphore_mem>>) src(%dma_wait3A_571 : memref<10000x128xf32, #tpu.memory_space<hbm>>) dst(%dma_wait3A_565 : memref<64x128xf32, #tpu.memory_space<vmem>>)
      %dma_wait3A_572 = arith.constant 3 : i32
      %dma_wait3A_573 = arith.constant 1 : i32
      %dma_wait3A_574 = arith.constant 1 : i32
      %dma_wait3A_575 = arith.constant 64 : i32
      %dma_wait3A_576 = arith.constant 0 : i32
      %dma_wait3A_577 = tpu.memref_slice %arg6[%dma_wait3A_574, %dma_wait3A_575, %dma_wait3A_576] : memref<2x128x128xf32, #tpu.memory_space<vmem>> -> memref<1x64x128xf32, #tpu.memory_space<vmem>>
      %dma_wait3A_578 = tpu.memref_squeeze %dma_wait3A_577 : memref<1x64x128xf32, #tpu.memory_space<vmem>> -> memref<64x128xf32, #tpu.memory_space<vmem>>
      %dma_wait3A_579 = arith.constant 64 : i32
      %dma_wait3A_580 = tpu.memref_slice %arg5[%dma_wait3A_572, %dma_wait3A_573, %dma_wait3A_579] : memref<4x2x128xi32, #tpu.memory_space<vmem>> -> memref<1x1x64xi32, #tpu.memory_space<vmem>>
      %dma_wait3A_581 = tpu.memref_squeeze %dma_wait3A_580 : memref<1x1x64xi32, #tpu.memory_space<vmem>> -> memref<64xi32, #tpu.memory_space<vmem>>
      %dma_wait3A_582 = arith.constant 0 : i32
      %dma_wait3A_583 = arith.constant 0 : i32
      %dma_wait3A_584 = tpu.memref_slice %arg2[%dma_wait3A_582, %dma_wait3A_583] : memref<10000x128xf32, #tpu.memory_space<hbm>> -> memref<10000x128xf32, #tpu.memory_space<hbm>>
      tpu.wait_indirect_dma semaphore(%arg15 : memref<!tpu.dma_semaphore, #tpu.memory_space<semaphore_mem>>) src(%dma_wait3A_584 : memref<10000x128xf32, #tpu.memory_space<hbm>>) dst(%dma_wait3A_578 : memref<64x128xf32, #tpu.memory_space<vmem>>)
      %mul3A_585 = arith.constant 4 : i32
      %mul3A_586 = arith.muli %scan3A_218, %mul3A_585 : i32
      %add3A_587 = arith.constant 3 : i32
      %add3A_588 = arith.addi %mul3A_586, %add3A_587 : i32
      %add3A_589 = arith.constant 1 : i32
      %add3A_590 = arith.addi %add3A_588, %add3A_589 : i32
      %add3A_591 = arith.addi %mul3A_2, %add3A_590 : i32
      %dma_wait3A_592 = arith.constant 0 : i32
      %dma_wait3A_593 = arith.constant 0 : i32
      %dma_wait3A_594 = arith.constant 0 : i32
      %dma_wait3A_595 = tpu.memref_slice %arg5[%dma_wait3A_592, %dma_wait3A_593, %dma_wait3A_594] : memref<4x2x128xi32, #tpu.memory_space<vmem>> -> memref<1x2x128xi32, #tpu.memory_space<vmem>>
      %dma_wait3A_596 = tpu.memref_squeeze %dma_wait3A_595 : memref<1x2x128xi32, #tpu.memory_space<vmem>> -> memref<2x128xi32, #tpu.memory_space<vmem>>
      %dma_wait3A_597 = arith.constant 0 : i32
      %dma_wait3A_598 = arith.constant 0 : i32
      %dma_wait3A_599 = tpu.memref_slice %arg3[%add3A_591, %dma_wait3A_597, %dma_wait3A_598] : memref<2568x2x128xi32, #tpu.memory_space<hbm>> -> memref<1x2x128xi32, #tpu.memory_space<hbm>>
      %dma_wait3A_600 = tpu.memref_squeeze %dma_wait3A_599 : memref<1x2x128xi32, #tpu.memory_space<hbm>> -> memref<2x128xi32, #tpu.memory_space<hbm>>
      %dma_wait3A_601 = arith.constant 0 : i32
      %dma_wait3A_602 = arith.constant 0 : i32
      %dma_wait3A_603 = tpu.memref_slice %arg5[%dma_wait3A_592, %dma_wait3A_601, %dma_wait3A_602] : memref<4x2x128xi32, #tpu.memory_space<vmem>> -> memref<1x2x128xi32, #tpu.memory_space<vmem>>
      %dma_wait3A_604 = tpu.memref_squeeze %dma_wait3A_603 : memref<1x2x128xi32, #tpu.memory_space<vmem>> -> memref<2x128xi32, #tpu.memory_space<vmem>>
      %dma_wait3A_605 = arith.constant 0 : i32
      %dma_wait3A_606 = arith.constant 0 : i32
      %dma_wait3A_607 = tpu.memref_slice %arg3[%add3A_591, %dma_wait3A_605, %dma_wait3A_606] : memref<2568x2x128xi32, #tpu.memory_space<hbm>> -> memref<1x2x128xi32, #tpu.memory_space<hbm>>
      %dma_wait3A_608 = tpu.memref_squeeze %dma_wait3A_607 : memref<1x2x128xi32, #tpu.memory_space<hbm>> -> memref<2x128xi32, #tpu.memory_space<hbm>>
      tpu.wait_dma2 semaphore(%arg8 : memref<!tpu.dma_semaphore, #tpu.memory_space<semaphore_mem>>) src(%dma_wait3A_608 : memref<2x128xi32, #tpu.memory_space<hbm>>) dst(%dma_wait3A_604 : memref<2x128xi32, #tpu.memory_space<vmem>>)
      %dma_start3A_609 = arith.constant 0 : i32
      %dma_start3A_610 = arith.constant 1 : i32
      %dma_start3A_611 = arith.constant 0 : i32
      %dma_start3A_612 = arith.constant 0 : i32
      %dma_start3A_613 = arith.constant 0 : i32
      %dma_start3A_614 = tpu.memref_slice %arg6[%dma_start3A_611, %dma_start3A_612, %dma_start3A_613] : memref<2x128x128xf32, #tpu.memory_space<vmem>> -> memref<1x64x128xf32, #tpu.memory_space<vmem>>
      %dma_start3A_615 = tpu.memref_squeeze %dma_start3A_614 : memref<1x64x128xf32, #tpu.memory_space<vmem>> -> memref<64x128xf32, #tpu.memory_space<vmem>>
      %dma_start3A_616 = arith.constant 0 : i32
      %dma_start3A_617 = tpu.memref_slice %arg5[%dma_start3A_609, %dma_start3A_610, %dma_start3A_616] : memref<4x2x128xi32, #tpu.memory_space<vmem>> -> memref<1x1x64xi32, #tpu.memory_space<vmem>>
      %dma_start3A_618 = tpu.memref_squeeze %dma_start3A_617 : memref<1x1x64xi32, #tpu.memory_space<vmem>> -> memref<64xi32, #tpu.memory_space<vmem>>
      %dma_start3A_619 = arith.constant 0 : i32
      %dma_start3A_620 = arith.constant 0 : i32
      %dma_start3A_621 = tpu.memref_slice %arg2[%dma_start3A_619, %dma_start3A_620] : memref<10000x128xf32, #tpu.memory_space<hbm>> -> memref<10000x128xf32, #tpu.memory_space<hbm>>
      tpu.enqueue_indirect_dma source(%dma_start3A_621 : memref<10000x128xf32, #tpu.memory_space<hbm>>) target(%dma_start3A_615 : memref<64x128xf32, #tpu.memory_space<vmem>>) offsets(%dma_start3A_618 : memref<64xi32, #tpu.memory_space<vmem>>) semaphore(%arg12 : memref<!tpu.dma_semaphore, #tpu.memory_space<semaphore_mem>>)
      %dma_start3A_622 = arith.constant 0 : i32
      %dma_start3A_623 = arith.constant 1 : i32
      %dma_start3A_624 = arith.constant 0 : i32
      %dma_start3A_625 = arith.constant 64 : i32
      %dma_start3A_626 = arith.constant 0 : i32
      %dma_start3A_627 = tpu.memref_slice %arg6[%dma_start3A_624, %dma_start3A_625, %dma_start3A_626] : memref<2x128x128xf32, #tpu.memory_space<vmem>> -> memref<1x64x128xf32, #tpu.memory_space<vmem>>
      %dma_start3A_628 = tpu.memref_squeeze %dma_start3A_627 : memref<1x64x128xf32, #tpu.memory_space<vmem>> -> memref<64x128xf32, #tpu.memory_space<vmem>>
      %dma_start3A_629 = arith.constant 64 : i32
      %dma_start3A_630 = tpu.memref_slice %arg5[%dma_start3A_622, %dma_start3A_623, %dma_start3A_629] : memref<4x2x128xi32, #tpu.memory_space<vmem>> -> memref<1x1x64xi32, #tpu.memory_space<vmem>>
      %dma_start3A_631 = tpu.memref_squeeze %dma_start3A_630 : memref<1x1x64xi32, #tpu.memory_space<vmem>> -> memref<64xi32, #tpu.memory_space<vmem>>
      %dma_start3A_632 = arith.constant 0 : i32
      %dma_start3A_633 = arith.constant 0 : i32
      %dma_start3A_634 = tpu.memref_slice %arg2[%dma_start3A_632, %dma_start3A_633] : memref<10000x128xf32, #tpu.memory_space<hbm>> -> memref<10000x128xf32, #tpu.memory_space<hbm>>
      tpu.enqueue_indirect_dma source(%dma_start3A_634 : memref<10000x128xf32, #tpu.memory_space<hbm>>) target(%dma_start3A_628 : memref<64x128xf32, #tpu.memory_space<vmem>>) offsets(%dma_start3A_631 : memref<64xi32, #tpu.memory_space<vmem>>) semaphore(%arg14 : memref<!tpu.dma_semaphore, #tpu.memory_space<semaphore_mem>>)
      %dma_start3A_635 = arith.constant 1 : i32
      %dma_start3A_636 = arith.constant 3 : i32
      %dma_start3A_637 = arith.constant 0 : i32
      %dma_start3A_638 = arith.constant 0 : i32
      %dma_start3A_639 = arith.constant 0 : i32
      %dma_start3A_640 = tpu.memref_slice %arg6[%dma_start3A_635, %dma_start3A_638, %dma_start3A_639] : memref<2x128x128xf32, #tpu.memory_space<vmem>> -> memref<1x128x128xf32, #tpu.memory_space<vmem>>
      %dma_start3A_641 = tpu.memref_squeeze %dma_start3A_640 : memref<1x128x128xf32, #tpu.memory_space<vmem>> -> memref<128x128xf32, #tpu.memory_space<vmem>>
      %dma_start3A_642 = arith.constant 0 : i32
      %dma_start3A_643 = tpu.memref_slice %arg5[%dma_start3A_636, %dma_start3A_637, %dma_start3A_642] : memref<4x2x128xi32, #tpu.memory_space<vmem>> -> memref<1x1x128xi32, #tpu.memory_space<vmem>>
      %dma_start3A_644 = tpu.memref_squeeze %dma_start3A_643 : memref<1x1x128xi32, #tpu.memory_space<vmem>> -> memref<128xi32, #tpu.memory_space<vmem>>
      %dma_start3A_645 = arith.constant 0 : i32
      %dma_start3A_646 = arith.constant 0 : i32
      %dma_start3A_647 = tpu.memref_slice %arg7[%dma_start3A_645, %dma_start3A_646] : memref<10240x128xf32, #tpu.memory_space<vmem_shared>> -> memref<10240x128xf32, #tpu.memory_space<vmem_shared>>
      tpu.enqueue_indirect_dma source(%dma_start3A_641 : memref<128x128xf32, #tpu.memory_space<vmem>>) target(%dma_start3A_647 : memref<10240x128xf32, #tpu.memory_space<vmem_shared>>) offsets(%dma_start3A_644 : memref<128xi32, #tpu.memory_space<vmem>>) semaphore(%arg16 : memref<!tpu.dma_semaphore, #tpu.memory_space<semaphore_mem>>) {add = true}
      %add3A_648 = arith.constant 3 : i32
      %add3A_649 = arith.addi %add3A_588, %add3A_648 : i32
      %add3A_650 = arith.addi %mul3A_2, %add3A_649 : i32
      %dma_start3A_651 = arith.constant 2 : i32
      %dma_start3A_652 = arith.constant 0 : i32
      %dma_start3A_653 = arith.constant 0 : i32
      %dma_start3A_654 = tpu.memref_slice %arg5[%dma_start3A_651, %dma_start3A_652, %dma_start3A_653] : memref<4x2x128xi32, #tpu.memory_space<vmem>> -> memref<1x2x128xi32, #tpu.memory_space<vmem>>
      %dma_start3A_655 = tpu.memref_squeeze %dma_start3A_654 : memref<1x2x128xi32, #tpu.memory_space<vmem>> -> memref<2x128xi32, #tpu.memory_space<vmem>>
      %dma_start3A_656 = arith.constant 0 : i32
      %dma_start3A_657 = arith.constant 0 : i32
      %dma_start3A_658 = tpu.memref_slice %arg3[%add3A_650, %dma_start3A_656, %dma_start3A_657] : memref<2568x2x128xi32, #tpu.memory_space<hbm>> -> memref<1x2x128xi32, #tpu.memory_space<hbm>>
      %dma_start3A_659 = tpu.memref_squeeze %dma_start3A_658 : memref<1x2x128xi32, #tpu.memory_space<hbm>> -> memref<2x128xi32, #tpu.memory_space<hbm>>
      %dma_start3A_660 = arith.constant 0 : i32
      %dma_start3A_661 = arith.constant 0 : i32
      %dma_start3A_662 = tpu.memref_slice %arg5[%dma_start3A_651, %dma_start3A_660, %dma_start3A_661] : memref<4x2x128xi32, #tpu.memory_space<vmem>> -> memref<1x2x128xi32, #tpu.memory_space<vmem>>
      %dma_start3A_663 = tpu.memref_squeeze %dma_start3A_662 : memref<1x2x128xi32, #tpu.memory_space<vmem>> -> memref<2x128xi32, #tpu.memory_space<vmem>>
      %dma_start3A_664 = arith.constant 0 : i32
      %dma_start3A_665 = arith.constant 0 : i32
      %dma_start3A_666 = tpu.memref_slice %arg3[%add3A_650, %dma_start3A_664, %dma_start3A_665] : memref<2568x2x128xi32, #tpu.memory_space<hbm>> -> memref<1x2x128xi32, #tpu.memory_space<hbm>>
      %dma_start3A_667 = tpu.memref_squeeze %dma_start3A_666 : memref<1x2x128xi32, #tpu.memory_space<hbm>> -> memref<2x128xi32, #tpu.memory_space<hbm>>
      tpu.enqueue_dma source(%dma_start3A_667 : memref<2x128xi32, #tpu.memory_space<hbm>>) target(%dma_start3A_663 : memref<2x128xi32, #tpu.memory_space<vmem>>) target_semaphore(%arg10 : memref<!tpu.dma_semaphore, #tpu.memory_space<semaphore_mem>>)
      %dma_wait3A_668 = arith.constant 1 : i32
      %dma_wait3A_669 = arith.constant 3 : i32
      %dma_wait3A_670 = arith.constant 0 : i32
      %dma_wait3A_671 = arith.constant 0 : i32
      %dma_wait3A_672 = arith.constant 0 : i32
      %dma_wait3A_673 = tpu.memref_slice %arg6[%dma_wait3A_668, %dma_wait3A_671, %dma_wait3A_672] : memref<2x128x128xf32, #tpu.memory_space<vmem>> -> memref<1x128x128xf32, #tpu.memory_space<vmem>>
      %dma_wait3A_674 = tpu.memref_squeeze %dma_wait3A_673 : memref<1x128x128xf32, #tpu.memory_space<vmem>> -> memref<128x128xf32, #tpu.memory_space<vmem>>
      %dma_wait3A_675 = arith.constant 0 : i32
      %dma_wait3A_676 = tpu.memref_slice %arg5[%dma_wait3A_669, %dma_wait3A_670, %dma_wait3A_675] : memref<4x2x128xi32, #tpu.memory_space<vmem>> -> memref<1x1x128xi32, #tpu.memory_space<vmem>>
      %dma_wait3A_677 = tpu.memref_squeeze %dma_wait3A_676 : memref<1x1x128xi32, #tpu.memory_space<vmem>> -> memref<128xi32, #tpu.memory_space<vmem>>
      %dma_wait3A_678 = arith.constant 0 : i32
      %dma_wait3A_679 = arith.constant 0 : i32
      %dma_wait3A_680 = tpu.memref_slice %arg7[%dma_wait3A_678, %dma_wait3A_679] : memref<10240x128xf32, #tpu.memory_space<vmem_shared>> -> memref<10240x128xf32, #tpu.memory_space<vmem_shared>>
      tpu.wait_indirect_dma semaphore(%arg16 : memref<!tpu.dma_semaphore, #tpu.memory_space<semaphore_mem>>) src(%dma_wait3A_674 : memref<128x128xf32, #tpu.memory_space<vmem>>) dst(%dma_wait3A_680 : memref<10240x128xf32, #tpu.memory_space<vmem_shared>>)
      %dma_wait3A_681 = arith.constant 0 : i32
      %dma_wait3A_682 = arith.constant 1 : i32
      %dma_wait3A_683 = arith.constant 0 : i32
      %dma_wait3A_684 = arith.constant 0 : i32
      %dma_wait3A_685 = arith.constant 0 : i32
      %dma_wait3A_686 = tpu.memref_slice %arg6[%dma_wait3A_683, %dma_wait3A_684, %dma_wait3A_685] : memref<2x128x128xf32, #tpu.memory_space<vmem>> -> memref<1x64x128xf32, #tpu.memory_space<vmem>>
      %dma_wait3A_687 = tpu.memref_squeeze %dma_wait3A_686 : memref<1x64x128xf32, #tpu.memory_space<vmem>> -> memref<64x128xf32, #tpu.memory_space<vmem>>
      %dma_wait3A_688 = arith.constant 0 : i32
      %dma_wait3A_689 = tpu.memref_slice %arg5[%dma_wait3A_681, %dma_wait3A_682, %dma_wait3A_688] : memref<4x2x128xi32, #tpu.memory_space<vmem>> -> memref<1x1x64xi32, #tpu.memory_space<vmem>>
      %dma_wait3A_690 = tpu.memref_squeeze %dma_wait3A_689 : memref<1x1x64xi32, #tpu.memory_space<vmem>> -> memref<64xi32, #tpu.memory_space<vmem>>
      %dma_wait3A_691 = arith.constant 0 : i32
      %dma_wait3A_692 = arith.constant 0 : i32
      %dma_wait3A_693 = tpu.memref_slice %arg2[%dma_wait3A_691, %dma_wait3A_692] : memref<10000x128xf32, #tpu.memory_space<hbm>> -> memref<10000x128xf32, #tpu.memory_space<hbm>>
      tpu.wait_indirect_dma semaphore(%arg12 : memref<!tpu.dma_semaphore, #tpu.memory_space<semaphore_mem>>) src(%dma_wait3A_693 : memref<10000x128xf32, #tpu.memory_space<hbm>>) dst(%dma_wait3A_687 : memref<64x128xf32, #tpu.memory_space<vmem>>)
      %dma_wait3A_694 = arith.constant 0 : i32
      %dma_wait3A_695 = arith.constant 1 : i32
      %dma_wait3A_696 = arith.constant 0 : i32
      %dma_wait3A_697 = arith.constant 64 : i32
      %dma_wait3A_698 = arith.constant 0 : i32
      %dma_wait3A_699 = tpu.memref_slice %arg6[%dma_wait3A_696, %dma_wait3A_697, %dma_wait3A_698] : memref<2x128x128xf32, #tpu.memory_space<vmem>> -> memref<1x64x128xf32, #tpu.memory_space<vmem>>
      %dma_wait3A_700 = tpu.memref_squeeze %dma_wait3A_699 : memref<1x64x128xf32, #tpu.memory_space<vmem>> -> memref<64x128xf32, #tpu.memory_space<vmem>>
      %dma_wait3A_701 = arith.constant 64 : i32
      %dma_wait3A_702 = tpu.memref_slice %arg5[%dma_wait3A_694, %dma_wait3A_695, %dma_wait3A_701] : memref<4x2x128xi32, #tpu.memory_space<vmem>> -> memref<1x1x64xi32, #tpu.memory_space<vmem>>
      %dma_wait3A_703 = tpu.memref_squeeze %dma_wait3A_702 : memref<1x1x64xi32, #tpu.memory_space<vmem>> -> memref<64xi32, #tpu.memory_space<vmem>>
      %dma_wait3A_704 = arith.constant 0 : i32
      %dma_wait3A_705 = arith.constant 0 : i32
      %dma_wait3A_706 = tpu.memref_slice %arg2[%dma_wait3A_704, %dma_wait3A_705] : memref<10000x128xf32, #tpu.memory_space<hbm>> -> memref<10000x128xf32, #tpu.memory_space<hbm>>
      tpu.wait_indirect_dma semaphore(%arg14 : memref<!tpu.dma_semaphore, #tpu.memory_space<semaphore_mem>>) src(%dma_wait3A_706 : memref<10000x128xf32, #tpu.memory_space<hbm>>) dst(%dma_wait3A_700 : memref<64x128xf32, #tpu.memory_space<vmem>>)
    }
    %scan3A_174 = arith.constant 20 : i32
    %add3A_175 = arith.constant 81 : i32
    %add3A_176 = arith.addi %mul3A_2, %add3A_175 : i32
    %dma_wait3A_177 = arith.constant 1 : i32
    %dma_wait3A_178 = arith.constant 0 : i32
    %dma_wait3A_179 = arith.constant 0 : i32
    %dma_wait3A_180 = tpu.memref_slice %arg5[%dma_wait3A_177, %dma_wait3A_178, %dma_wait3A_179] : memref<4x2x128xi32, #tpu.memory_space<vmem>> -> memref<1x2x128xi32, #tpu.memory_space<vmem>>
    %dma_wait3A_181 = tpu.memref_squeeze %dma_wait3A_180 : memref<1x2x128xi32, #tpu.memory_space<vmem>> -> memref<2x128xi32, #tpu.memory_space<vmem>>
    %dma_wait3A_182 = arith.constant 0 : i32
    %dma_wait3A_183 = arith.constant 0 : i32
    %dma_wait3A_184 = tpu.memref_slice %arg3[%add3A_176, %dma_wait3A_182, %dma_wait3A_183] : memref<2568x2x128xi32, #tpu.memory_space<hbm>> -> memref<1x2x128xi32, #tpu.memory_space<hbm>>
    %dma_wait3A_185 = tpu.memref_squeeze %dma_wait3A_184 : memref<1x2x128xi32, #tpu.memory_space<hbm>> -> memref<2x128xi32, #tpu.memory_space<hbm>>
    %dma_wait3A_186 = arith.constant 0 : i32
    %dma_wait3A_187 = arith.constant 0 : i32
    %dma_wait3A_188 = tpu.memref_slice %arg5[%dma_wait3A_177, %dma_wait3A_186, %dma_wait3A_187] : memref<4x2x128xi32, #tpu.memory_space<vmem>> -> memref<1x2x128xi32, #tpu.memory_space<vmem>>
    %dma_wait3A_189 = tpu.memref_squeeze %dma_wait3A_188 : memref<1x2x128xi32, #tpu.memory_space<vmem>> -> memref<2x128xi32, #tpu.memory_space<vmem>>
    %dma_wait3A_190 = arith.constant 0 : i32
    %dma_wait3A_191 = arith.constant 0 : i32
    %dma_wait3A_192 = tpu.memref_slice %arg3[%add3A_176, %dma_wait3A_190, %dma_wait3A_191] : memref<2568x2x128xi32, #tpu.memory_space<hbm>> -> memref<1x2x128xi32, #tpu.memory_space<hbm>>
    %dma_wait3A_193 = tpu.memref_squeeze %dma_wait3A_192 : memref<1x2x128xi32, #tpu.memory_space<hbm>> -> memref<2x128xi32, #tpu.memory_space<hbm>>
    tpu.wait_dma2 semaphore(%arg9 : memref<!tpu.dma_semaphore, #tpu.memory_space<semaphore_mem>>) src(%dma_wait3A_193 : memref<2x128xi32, #tpu.memory_space<hbm>>) dst(%dma_wait3A_189 : memref<2x128xi32, #tpu.memory_space<vmem>>)
    %add3A_194 = arith.constant 82 : i32
    %add3A_195 = arith.addi %mul3A_2, %add3A_194 : i32
    %dma_wait3A_196 = arith.constant 2 : i32
    %dma_wait3A_197 = arith.constant 0 : i32
    %dma_wait3A_198 = arith.constant 0 : i32
    %dma_wait3A_199 = tpu.memref_slice %arg5[%dma_wait3A_196, %dma_wait3A_197, %dma_wait3A_198] : memref<4x2x128xi32, #tpu.memory_space<vmem>> -> memref<1x2x128xi32, #tpu.memory_space<vmem>>
    %dma_wait3A_200 = tpu.memref_squeeze %dma_wait3A_199 : memref<1x2x128xi32, #tpu.memory_space<vmem>> -> memref<2x128xi32, #tpu.memory_space<vmem>>
    %dma_wait3A_201 = arith.constant 0 : i32
    %dma_wait3A_202 = arith.constant 0 : i32
    %dma_wait3A_203 = tpu.memref_slice %arg3[%add3A_195, %dma_wait3A_201, %dma_wait3A_202] : memref<2568x2x128xi32, #tpu.memory_space<hbm>> -> memref<1x2x128xi32, #tpu.memory_space<hbm>>
    %dma_wait3A_204 = tpu.memref_squeeze %dma_wait3A_203 : memref<1x2x128xi32, #tpu.memory_space<hbm>> -> memref<2x128xi32, #tpu.memory_space<hbm>>
    %dma_wait3A_205 = arith.constant 0 : i32
    %dma_wait3A_206 = arith.constant 0 : i32
    %dma_wait3A_207 = tpu.memref_slice %arg5[%dma_wait3A_196, %dma_wait3A_205, %dma_wait3A_206] : memref<4x2x128xi32, #tpu.memory_space<vmem>> -> memref<1x2x128xi32, #tpu.memory_space<vmem>>
    %dma_wait3A_208 = tpu.memref_squeeze %dma_wait3A_207 : memref<1x2x128xi32, #tpu.memory_space<vmem>> -> memref<2x128xi32, #tpu.memory_space<vmem>>
    %dma_wait3A_209 = arith.constant 0 : i32
    %dma_wait3A_210 = arith.constant 0 : i32
    %dma_wait3A_211 = tpu.memref_slice %arg3[%add3A_195, %dma_wait3A_209, %dma_wait3A_210] : memref<2568x2x128xi32, #tpu.memory_space<hbm>> -> memref<1x2x128xi32, #tpu.memory_space<hbm>>
    %dma_wait3A_212 = tpu.memref_squeeze %dma_wait3A_211 : memref<1x2x128xi32, #tpu.memory_space<hbm>> -> memref<2x128xi32, #tpu.memory_space<hbm>>
    tpu.wait_dma2 semaphore(%arg10 : memref<!tpu.dma_semaphore, #tpu.memory_space<semaphore_mem>>) src(%dma_wait3A_212 : memref<2x128xi32, #tpu.memory_space<hbm>>) dst(%dma_wait3A_208 : memref<2x128xi32, #tpu.memory_space<vmem>>)
    %barrier3A_213 = arith.constant 0 : index
    tpu.barrier barrier_id(%barrier3A_213)
    %mul3A_214 = arith.constant 640 : i32
    %mul3A_215 = arith.muli %arg1, %mul3A_214 : i32
    %mul3A_216 = arith.constant 640 : i32
    %mul3A_217 = arith.muli %arg1, %mul3A_216 : i32
    "tpu.region"() ({
      %run_scoped3A_218 = tpu.sem_alloc : memref<!tpu.dma_semaphore, #tpu.memory_space<semaphore_mem>>
      %dma_start3A_219 = arith.constant 0 : i32
      %dma_start3A_220 = tpu.memref_slice %arg4[%arg0, %mul3A_217, %dma_start3A_219] : memref<2x10240x128xf32, #tpu.memory_space<hbm>> -> memref<1x640x128xf32, #tpu.memory_space<hbm>>
      %dma_start3A_221 = tpu.memref_squeeze %dma_start3A_220 : memref<1x640x128xf32, #tpu.memory_space<hbm>> -> memref<640x128xf32, #tpu.memory_space<hbm>>
      %dma_start3A_222 = arith.constant 0 : i32
      %dma_start3A_223 = tpu.memref_slice %arg7[%mul3A_215, %dma_start3A_222] : memref<10240x128xf32, #tpu.memory_space<vmem_shared>> -> memref<640x128xf32, #tpu.memory_space<vmem_shared>>
      tpu.enqueue_dma source(%dma_start3A_223 : memref<640x128xf32, #tpu.memory_space<vmem_shared>>) target(%dma_start3A_221 : memref<640x128xf32, #tpu.memory_space<hbm>>) target_semaphore(%run_scoped3A_218 : memref<!tpu.dma_semaphore, #tpu.memory_space<semaphore_mem>>)
      %dma_wait3A_224 = arith.constant 0 : i32
      %dma_wait3A_225 = tpu.memref_slice %arg4[%arg0, %mul3A_217, %dma_wait3A_224] : memref<2x10240x128xf32, #tpu.memory_space<hbm>> -> memref<1x640x128xf32, #tpu.memory_space<hbm>>
      %dma_wait3A_226 = tpu.memref_squeeze %dma_wait3A_225 : memref<1x640x128xf32, #tpu.memory_space<hbm>> -> memref<640x128xf32, #tpu.memory_space<hbm>>
      %dma_wait3A_227 = arith.constant 0 : i32
      %dma_wait3A_228 = tpu.memref_slice %arg7[%mul3A_215, %dma_wait3A_227] : memref<10240x128xf32, #tpu.memory_space<vmem_shared>> -> memref<640x128xf32, #tpu.memory_space<vmem_shared>>
      tpu.wait_dma2 semaphore(%run_scoped3A_218 : memref<!tpu.dma_semaphore, #tpu.memory_space<semaphore_mem>>) src(%dma_wait3A_228 : memref<640x128xf32, #tpu.memory_space<vmem_shared>>) dst(%dma_wait3A_226 : memref<640x128xf32, #tpu.memory_space<hbm>>)
      tpu.yield
    }) : () -> ()
    return
  }
}

module attributes {stable_mosaic.version = 14 : i64} {
  func.func @body(%arg0: i32, %arg1: memref<1000x128xf32, #tpu.memory_space<vmem>>, %arg2: memref<1x1000x128xf32, #tpu.memory_space<vmem>>, %arg3: memref<1x1000x128xf32, #tpu.memory_space<vmem>>, %arg4: memref<1000x256xf32, #tpu.memory_space<vmem>>) attributes {dimension_semantics = [#tpu.dimension_semantics<arbitrary>], iteration_bounds = array<i64: 10>, scalar_prefetch = 0 : i64, scratch_operands = 0 : i64, tpu.core_type = #tpu.core_type<tc>, window_params = [{transform_indices = @transform_0, window_bounds = array<i64: 1000, 128>}, {transform_indices = @transform_1, window_bounds = array<i64: 1, 1000, 128>}, {transform_indices = @transform_2, window_bounds = array<i64: 1, 1000, 128>}, {transform_indices = @transform_3, window_bounds = array<i64: 1000, 256>}]} {
    %get3A = arith.constant 0 : index
    %get3A_0 = arith.constant 0 : index
    %get3A_1 = vector.load %arg1[%get3A, %get3A_0] : memref<1000x128xf32, #tpu.memory_space<vmem>>, vector<1000x128xf32>
    %swap3A = arith.constant 0 : index
    %swap3A_2 = arith.constant 0 : index
    %swap3A_3 = vector.load %arg4[%swap3A, %swap3A_2] : memref<1000x256xf32, #tpu.memory_space<vmem>>, vector<1000x128xf32>
    tpu.vector_store %arg4[%swap3A, %swap3A_2], %get3A_1 {strides = array<i32>} : memref<1000x256xf32, #tpu.memory_space<vmem>>, vector<1000x128xf32>,
    %get3A_4 = arith.constant 0 : index
    %get3A_5 = arith.constant 0 : index
    %get3A_6 = arith.constant 0 : index
    %get3A_7 = vector.load %arg2[%get3A_4, %get3A_5, %get3A_6] : memref<1x1000x128xf32, #tpu.memory_space<vmem>>, vector<1x1000x128xf32>
    %get3A_8 = vector.shape_cast %get3A_7 : vector<1x1000x128xf32> to vector<1000x128xf32>
    %get3A_9 = arith.constant 0 : index
    %get3A_10 = arith.constant 0 : index
    %get3A_11 = arith.constant 0 : index
    %get3A_12 = vector.load %arg3[%get3A_9, %get3A_10, %get3A_11] : memref<1x1000x128xf32, #tpu.memory_space<vmem>>, vector<1x1000x128xf32>
    %get3A_13 = vector.shape_cast %get3A_12 : vector<1x1000x128xf32> to vector<1000x128xf32>
    %add3A = arith.addf %get3A_8, %get3A_13 : vector<1000x128xf32>
    %swap3A_14 = arith.constant 0 : index
    %swap3A_15 = arith.constant 128 : index
    %swap3A_16 = vector.load %arg4[%swap3A_14, %swap3A_15] : memref<1000x256xf32, #tpu.memory_space<vmem>>, vector<1000x128xf32>
    tpu.vector_store %arg4[%swap3A_14, %swap3A_15], %add3A {strides = array<i32>} : memref<1000x256xf32, #tpu.memory_space<vmem>>, vector<1000x128xf32>,
    return
  }
  func.func @transform_0(%arg0: i32) -> (i32, i32) {
    %c0_i32 = arith.constant 0 : i32
    %c0_i32_0 = arith.constant 0 : i32
    return %arg0, %c0_i32 : i32, i32
  }
  func.func @transform_1(%arg0: i32) -> (i32, i32, i32) {
    %c0_i32 = arith.constant 0 : i32
    %c0_i32_0 = arith.constant 0 : i32
    %c0_i32_1 = arith.constant 0 : i32
    return %c0_i32, %arg0, %c0_i32_0 : i32, i32, i32
  }
  func.func @transform_2(%arg0: i32) -> (i32, i32, i32) {
    %c1_i32 = arith.constant 1 : i32
    %c0_i32 = arith.constant 0 : i32
    %c0_i32_0 = arith.constant 0 : i32
    return %c1_i32, %arg0, %c0_i32 : i32, i32, i32
  }
  func.func @transform_3(%arg0: i32) -> (i32, i32) {
    %c0_i32 = arith.constant 0 : i32
    %c0_i32_0 = arith.constant 0 : i32
    return %arg0, %c0_i32 : i32, i32
  }
}

</mosaic_0001>

<sc_bundles>
// kernel: kernel.4.cloned.1.call-start
scs
__scs_entry_jumppad:
0x0: {  	(pc) =	sbr.rel $0x88, $3  }
0x1: {  	(tag) =	ssettag $0x0;
	lr =	simm.s32 $0x1  }
0x2: {  	[smem:$0x3F9F] =	sst lr;
	_ =	strace $0xD0000000  }
0x3: {  	_ = 	snop  }
0x4: {  	_ = 	snop  }
0x5: {  	_ = 	snop  }
0x6: {  	_ = 	snop  }
0x7: {  	_ = 	snop  }
__scs_overlays_trampoline_lowered:
0x8: {  	[smem:$0x3FAE] =	sst s0  }
0x9: {  	[smem:$0x3FAF] =	sst s1  }
0xa: {  	[smem:$0x3FB0] =	sst s2  }
0xb: {  	[smem:$0x3FB1] =	sst s3  }
0xc: {  	[smem:$0x3FB2] =	sst s4  }
0xd: {  	[smem:$0x3FB3] =	sst s5  }
0xe: {  	[smem:$0x3FB4] =	sst s6  }
0xf: {  	[smem:$0x3FB5] =	sst s7  }
0x10: {  	[smem:$0x3FB6] =	sst s8  }
0x11: {  	[smem:$0x3FB7] =	sst s9;
	s0 =	simm.s32 @!p0 $0x0  }
0x12: {  	s1 =	sld [smem:$0x3F9D];
	s0 =	simm.s32 @p0 $0x1  }
0x13: {  	[smem:$0x3FB8] =	sst s0;
	s0 =	simm.s32 @!p1 $0x0  }
0x14: {  	s2 =	sld [smem:$0x3F9C];
	s0 =	simm.s32 @p1 $0x1  }
0x15: {  	[smem:$0x3FB9] =	sst s0;
	s0 =	simm.s32 @!p2 $0x0  }
0x16: {  	s3 =	sld [smem:$0x3FDB];
	s0 =	simm.s32 @p2 $0x1  }
0x17: {  	s4 =	simm.s32 $0x1BF5;
	[smem:$0x3FBB] =	sst s0  }
0x18: {  	s0 =	sld [smem:$0x3F9E];
	_ =	swait.ge [sflag:s4], $0x0  }
0x19: {  	s7 =	sld [smem:$0x3F9F]  }
0x1a: {  	s8 =	sadd.s32 $0xFFFFE003, lr  }
0x1b: {  	s9 =	sadd.s32 $0xFFFFFEF7, lr;
	s5 =	simm.s32 $0xFFFFFFFF;
	p2 =	slt.u32 s8, $0xFFFFF086  }
0x1c: {  	p1 =	slt.u32 s9, $0xF7A;
	s5 =	simm.s32 @!p2 $0x0  }
0x1d: {  	s5 =	simm.s32 @p1 $0x1;
	p0 =	seq.s32 s7, s2  }
0x1e: {  	s7 =	smul.u32 @!p0 $0xF7A, s2;
	p2 =	seq.s32 @!p0 s5, $0x0  }
0x1f: {  	s9 =	smul.u32 $0xF7A, s1;
	s8 =	simm.s32 @!p0 $0x1BF5;
	p2 =	por !p2, p0  }
0x20: {  	[sflag:s8] =	ssyncset.s32 @!p0 $0xFFFFF086;
	s6 =	sadd.s32 @!p0 s3, s7;
	s7 =	simm.s32 @!p0 $0x108  }
0x21: {  	s3 =	sadd.s32 s3, s9;
	s6 =	sadd.s32 @!p0 $0x88, s6;
	s7 =	simm.s32 @p2 $0x1082  }
0x22: {  	[simem:s7], [sflag:s8] =	dma.local @!p0 [hbm:s6], $0xF7A  }
0x23: {  	s9 =	sor.u32 $0xD0000000, s2;
	s6 =	simm.s32 $0x108;
	_ =	swait.ge @!p0 [sflag:s8], $0x0  }
0x24: {  	s3 =	sadd.s32 $0x88, s3;
	s6 =	simm.s32 @!p1 $0x1082;
	[sflag:s4] =	ssyncset.s32 $0xFFFFF086  }
0x25: {  	[simem:s6], [sflag:s4] =	dma.local [hbm:s3], $0xF7A  }
0x26: {  	[smem:$0x3F9F] =	sst s1;
	(tag) =	ssettag s2;
	_ =	strace s9  }
0x27: {  	s1 =	sld [smem:$0x3FAF]  }
0x28: {  	s2 =	sld [smem:$0x3FB0]  }
0x29: {  	s4 =	sld [smem:$0x3FB2]  }
0x2a: {  	p0 =	seq.s32 s5, $0x0;
	s5 =	sld [smem:$0x3FB3]  }
0x2b: {  	s6 =	sld [smem:$0x3FB4]  }
0x2c: {  	s7 =	sld [smem:$0x3FB5]  }
0x2d: {  	s3 =	simm.s32 $0x108;
	s8 =	sld [smem:$0x3FB6]  }
0x2e: {  	s3 =	simm.s32 @!p0 $0x1082;
	s9 =	sld [smem:$0x3FB7]  }
0x2f: {  	lr =	sadd.s32 s0, s3;
	s0 =	sld [smem:$0x3FAE]  }
0x30: {  	s3 =	sld [smem:$0x3FB1]  }
0x31: {  	[smem:$0x3FBA] =	sst s10  }
0x32: {  	s10 =	sld [smem:$0x3FB8];
	_ =	sdelay $0x3  }
0x33: {  	p0 =	seq.s32 s10, $0x1;
	s10 =	sld [smem:$0x3FBA];
	_ =	sdelay $0x3  }
0x34: {  	[smem:$0x3FBA] =	sst s10  }
0x35: {  	s10 =	sld [smem:$0x3FB9];
	_ =	sdelay $0x3  }
0x36: {  	p1 =	seq.s32 s10, $0x1;
	s10 =	sld [smem:$0x3FBA];
	_ =	sdelay $0x3  }
0x37: {  	[smem:$0x3FBA] =	sst s10  }
0x38: {  	s10 =	sld [smem:$0x3FBB]  }
0x39: {  	_ = 	snop;
	(pc) =	sbr.ind lr, $3  }
0x3a: {  	_ = 	snop  }
0x3b: {  	_ = 	snop  }
0x3c: {  	p2 =	seq.s32 s10, $0x1;
	s10 =	sld [smem:$0x3FBA]  }
0x3d: {  	_ =	shalt  }
0x3e: {  	_ =	shalt  }
0x3f: {  	_ =	shalt  }
0x40: {  	_ =	shalt  }
0x41: {  	_ =	shalt  }
0x42: {  	_ =	shalt  }
0x43: {  	_ =	shalt  }
0x44: {  	_ =	shalt  }
0x45: {  	_ =	shalt  }
0x46: {  	_ =	shalt  }
0x47: {  	_ =	shalt  }
0x48: {  	_ =	shalt  }
0x49: {  	_ =	shalt  }
0x4a: {  	_ =	shalt  }
0x4b: {  	_ =	shalt  }
0x4c: {  	_ =	shalt  }
0x4d: {  	_ =	shalt  }
0x4e: {  	_ =	shalt  }
0x4f: {  	_ =	shalt  }
0x50: {  	_ =	shalt  }
0x51: {  	_ =	shalt  }
0x52: {  	_ =	shalt  }
0x53: {  	_ =	shalt  }
0x54: {  	_ =	shalt  }
0x55: {  	_ =	shalt  }
0x56: {  	_ =	shalt  }
0x57: {  	_ =	shalt  }
0x58: {  	_ =	shalt  }
0x59: {  	_ =	shalt  }
0x5a: {  	_ =	shalt  }
0x5b: {  	_ =	shalt  }
0x5c: {  	_ =	shalt  }
0x5d: {  	_ =	shalt  }
0x5e: {  	_ =	shalt  }
0x5f: {  	_ =	shalt  }
0x60: {  	_ =	shalt  }
0x61: {  	_ =	shalt  }
0x62: {  	_ =	shalt  }
0x63: {  	_ =	shalt  }
0x64: {  	_ =	shalt  }
0x65: {  	_ =	shalt  }
0x66: {  	_ =	shalt  }
0x67: {  	_ =	shalt  }
0x68: {  	_ =	shalt  }
0x69: {  	_ =	shalt  }
0x6a: {  	_ =	shalt  }
0x6b: {  	_ =	shalt  }
0x6c: {  	_ =	shalt  }
0x6d: {  	_ =	shalt  }
0x6e: {  	_ =	shalt  }
0x6f: {  	_ =	shalt  }
0x70: {  	_ =	shalt  }
0x71: {  	_ =	shalt  }
0x72: {  	_ =	shalt  }
0x73: {  	_ =	shalt  }
0x74: {  	_ =	shalt  }
0x75: {  	_ =	shalt  }
0x76: {  	_ =	shalt  }
0x77: {  	_ =	shalt  }
0x78: {  	_ =	shalt  }
0x79: {  	_ =	shalt  }
0x7a: {  	_ =	shalt  }
0x7b: {  	_ =	shalt  }
0x7c: {  	_ =	shalt  }
0x7d: {  	_ =	shalt  }
0x7e: {  	_ =	shalt  }
0x7f: {  	_ =	shalt  }
0x80: {  	_ =	shalt  }
0x81: {  	_ =	shalt  }
0x82: {  	_ =	shalt  }
0x83: {  	_ =	shalt  }
0x84: {  	_ =	shalt  }
0x85: {  	_ =	shalt  }
0x86: {  	_ =	shalt  }
0x87: {  	_ =	shalt  }
.Lfunc_end0:
.L_simem_size_0:
called_computation_lowered:
.L_overlay_start_0:
0x88: {  	s2 =	sld [smem:$0x3FD9]  }
0x89: {  	s3 =	sld [smem:$0x3FFE];
	_ =	sdelay $0x1  }
0x8a: {  	s1 =	srdreg.scid  }
0x8b: {  	s0 =	sand.u32 $0x1, s1  }
0x8c: {  	s17 =	sshll.u32 s0, $0xA;
	s2 =	sadd.s32 s3, s2  }
0x8d: {  	s2 =	sadd.s32 s2, s17  }
0x8e: {  	[smem:$0x3FC6] =	sst s2  }
0x8f: {  	_ = 	snop  }
0x90: {  	s2 =	sld [smem:$0x3FC9]  }
0x91: {  	s18 =	sld [smem:$0x3FD0];
	(tm) =	ssettm $0x1  }
0x92: {  	s4 =	sld [smem:$0x3FFB];
	_ =	sdelay $0x3  }
0x93: {  	_ =	strace s4  }
0x94: {  	s4 =	sld [smem:$0x3FFC];
	_ =	sdelay $0x3  }
0x95: {  	_ =	strace s4  }
0x96: {  	s4 =	sld [smem:$0x3FFD];
	_ =	sdelay $0x3  }
0x97: {  	_ =	strace s4  }
0x98: {  	_ =	strace $0x8FFFFFFF  }
0x99: {  	s19 =	sld [smem:$0x3FDB];
	_ =	sdelay $0x1  }
0x9a: {  	s5 =	simm.s32 $_scs_section_size  }
0x9b: {  	s6 =	simm.s32 $_size__tile_overlayer_lowered;
	s7 =	simm.s32 $_tile_overlayer_lowered  }
0x9c: {  	s22 =	simm.s32 $0x1BFF;
	s21 =	sshll.u32 s7, $0x1;
	s4 =	sadd.s32 s5, s19  }
0x9d: {  	s8 =	simm.s32 $0x0;
	s20 =	sshll.u32 s6, $0x1;
	s6 =	sadd.s32 s21, s4  }
0x9e: {  	[timem:s8], [sflag:s22] =	dma.local [hbm:s6], s20  }
0x9f: {  	_ =	swait.ge [sflag:s22], s20  }
0xa0: {  	s5 =	ssub.s32 $0x0, s20;
	[sflag:s22] =	ssyncset.done $0x0  }
0xa1: {  	[sflag:s22] =	ssyncadd.s32 s5;
	_ =	sdelay $0x1  }
0xa2: {  	s23 =	simm.s32 $0x1B8B  }
0xa3: {  	_ =	swait.ge [sflag:s23], $0x1  }
0xa4: {  	[sflag:s23] =	ssyncset.done $0x0  }
0xa5: {  	s25 =	simm.s32 $0x1B8E;
	s24 =	sld [smem:$0x3FFE];
	[sflag:s23] =	ssyncadd.s32 $0xFFFFFFFF  }
0xa6: {  	s26 =	simm.s32 $execute0_lowered;
	[smem:$0x3FD2] =	sst s25  }
0xa7: {  	s6 =	sshll.u32 s26, $0x1;
	_ =	strace $0x80000046;
	[dreg:$0x1] =	wrdreg $0xFFFFFFFF  }
0xa8: {  	s28 =	simm.s32 $_size_execute0_lowered;
	s4 =	sadd.s32 s4, s6;
	[dreg:$0x0] =	wrdreg $0x0  }
0xa9: {  	s6 =	sshll.u32 s28, $0x1;
	[dreg:$0x2] =	wrdreg s4  }
0xaa: {  	[dreg:$0x3] =	wrdreg s6  }
0xab: {  	[dreg:$0x4] =	wrdreg $0xC0  }
0xac: {  	_ =	task [dreg:s8], $0x5FFFF  }
0xad: {  	[dreg:$0x1] =	wrdreg $0xFFFFFFFF  }
0xae: {  	[dreg:$0x0] =	wrdreg $0x60  }
0xaf: {  	[dreg:$0x2] =	wrdreg s2  }
0xb0: {  	[dreg:$0x3] =	wrdreg s18  }
0xb1: {  	[dreg:$0x4] =	wrdreg s24  }
0xb2: {  	[dreg:$0x5] =	wrdreg $0x84000  }
0xb3: {  	[dreg:$0x6] =	wrdreg $0x9  }
0xb4: {  	_ =	task.clear_ibuf [dreg:s8], $0x7FFFF;
	_ =	strace $0x90000046  }
0xb5: {  	s29 =	simm.s32 $0x9;
	_ =	strace $0x80000048  }
0xb6: {  	_ =	swait.ge [sflag:s29], $0x1  }
0xb7: {  	[sflag:s29] =	ssyncadd.s32 $0xFFFFFFFF  }
0xb8: {  	_ =	strace $0x90000048  }
0xb9: {  	_ =	sfence  }
0xba: {  	s30 =	sld [smem:$0x0];
	_ =	sdelay $0x2  }
0xbb: {  	s31 =	sshll.u32 s1, $0xD;
	s1 =	sshrl.u32 s1, $0x2  }
0xbc: {  	s3 =	sand.u32 $0x4000, s31;
	s1 =	sadd.s32 s1, s30  }
0xbd: {  	s0 =	sor.u32 s3, s0;
	s1 =	sshll.u32 s1, $0x11  }
0xbe: {  	s0 =	sor.u32 s1, s0  }
0xbf: {  	s0 =	sadd.s32 $0x8F2B, s0  }
0xc0: {  	[sflag:s0] =	ssyncadd.remote.s32 $0x1  }
0xc1: {  	_ =	sfence.sel $0xFFFF  }
0xc2: {  	[dreg:$0x0] =	wrdreg $0xFFFFFFFF;
	(pc) =	sbr.abs _section_cstart, $3  }
0xc3: {  	[dreg:$0x1] =	wrdreg $0xFFFFFFFF  }
0xc4: {  	_ =	task.clear_ibuf [dreg:s8], $0x2FFFF;
	_ =	strace $0x9FFFFFFF  }
0xc5: {  	(tm) =	ssettm $0x7FFFFFFF  }
tec
execute0_lowered:
.L_overlay_start_1:
0x0: {  	(tag) =	ssettag $0x1  }
0x1: {  	s0 =	rddreg [dreg:$0x0]  }
0x2: {  	s1 =	rddreg [dreg:$0x1]  }
0x3: {  	s2 =	rddreg [dreg:$0x2]  }
0x4: {  	s4 =	srdreg.scid;
	s11 =	stileid.u32  }
0x5: {  	s3 =	rddreg [dreg:$0x3];
	s23 =	simm.s32 $0x180;
	s7 =	smul.u32 $0x14000, s11  }
0x6: {  	s28 =	simm.s32 $0x2;
	s29 =	simm.s32 $0x4400;
	s8 =	smul.u32 $0x50000, s11  }
0x7: {  	s30 =	simm.s32 $0x6400;
	s5 =	sand.u32 $0x1, s4;
	s10 =	smul.u32 $0x50, s11  }
0x8: {  	s31 =	simm.s32 $0x300;
	s4 =	simm.s32 $0x0;
	s6 =	smul.u32 $0x140000, s5  }
0x9: {  	[smem:$0x7FF] =	sst s4;
	s24 =	ssub.s32 $0x2, s5;
	s9 =	smul.u32 $0x500, s5  }
0xa: {  	s5 =	sshll.u32 s5, $0x4;
	_ =	strace $0x80000047;
	s25 =	sshrl.u32 s24, $0x1  }
0xb: {  	s8 =	sshrl.u32 s8, $0x2;
	s26 =	sor.u32 s11, s5;
	[dreg:$0x7] =	wrdreg s23  }
0xc: {  	s23 =	simm.s32 $0xC0;
	s6 =	sadd.s32 s7, s6;
	s13 =	sadd.s32 s8, s3  }
0xd: {  	s7 =	smul.u32 $0xA00, s26;
	s12 =	sadd.s32 s10, s9;
	s26 =	simm.s32 $0x2C0  }
0xe: {  	s9 =	simm.s32 $0x380;
	s10 =	simm.s32 $0x0;
	[dreg:$0xa] =	wrdreg s26  }
0xf: {  	s6 =	sshrl.u32 s6, $0x3;
	s11 =	sadd.s32 $0x4000, s13;
	[dreg:$0xb] =	wrdreg s13  }
0x10: {  	s14 =	sadd.s32 $0x8000, s13;
	s15 =	sadd.s32 $0xC000, s13;
	[dreg:$0xc] =	wrdreg s11  }
0x11: {  	s8 =	sshll.u32 s12, $0x5;
	s16 =	sadd.s32 $0x10000, s13;
	[dreg:$0xd] =	wrdreg s14  }
0x12: {  	s26 =	simm.s32 $0x7;
	s12 =	simm.s32 $0x3C0;
	[dreg:$0xe] =	wrdreg s15  }
0x13: {  	s2 =	sadd.s32 s6, s2;
	[dreg:$0xf] =	wrdreg s16;
	s17 =	sadd.s32 s1, s7  }
0x14: {  	s6 =	ssub.s32 s24, s25;
	s24 =	simm.s32 $0x1C0;
	[dreg:$0x10] =	wrdreg s17  }
0x15: {  	s11 =	sadd.s32 s8, s1;
	s25 =	simm.s32 $0x280;
	[dreg:$0x8] =	wrdreg s24  }
0x16: {  	s16 =	simm.s32 $0x400;
	s18 =	sadd.s32 $0x20, s17;
	[dreg:$0x9] =	wrdreg s25  }
0x17: {  	s1 =	simm.s32 $0x9;
	s19 =	sadd.s32 $0x40, s17;
	[dreg:$0x11] =	wrdreg s18  }
0x18: {  	s7 =	simm.s32 $0x3;
	s2 =	sadd.s32 $0x1000, s2;
	[dreg:$0x12] =	wrdreg s19  }
0x19: {  	s8 =	simm.s32 $0x4;
	s20 =	sadd.s32 $0xC0, s11;
	[dreg:$0x13] =	wrdreg s2  }
0x1a: {  	s21 =	sadd.s32 $0x80, s11;
	s22 =	smax.u32 s6, $0x1;
	[dreg:$0x5] =	wrdreg s20  }
0x1b: {  	s17 =	simm.s32 $0xA;
	s24 =	simm.s32 $0x2400;
	[dreg:$0x14] =	wrdreg s22  }
0x1c: {  	s25 =	simm.s32 $0x5;
	s6 =	simm.s32 $0x8;
	[dreg:$0x6] =	wrdreg s21  }
0x1d: {  	s18 =	simm.s32 $0x100;
	s19 =	simm.s32 $0x200;
	s20 =	simm.s32 $0x1  }
0x1e: {  	v0 =	vimm.f32 $0.0e+00;
	s21 =	simm.s32 $0x40;
	s22 =	simm.s32 $0x80;
	s2 =	simm.s32 $0x6  }
.LBB2_1:
0x1f: {  	[dreg:$0x15] =	wrdreg s10;
	s10 =	simm.s32 $0x0;
	s14 =	simm.s32 $0x200  }
.LBB2_2:
0x20: {  	p0 =	sne.s32 s14, $0xFE00;
	[tilespmem:s10+$0x470] =	vst v0  }
0x21: {  	[tilespmem:s10+$0x400] =	vst v0  }
0x22: {  	[tilespmem:s10+$0x410] =	vst v0  }
.Ltmp0:
0x23: {  	[tilespmem:s10+$0x420] =	vst v0;
	(pc) =	sbr.rel @p0 .LBB2_2-.Ltmp0, $4  }
0x24: {  	[tilespmem:s10+$0x430] =	vst v0  }
0x25: {  	[tilespmem:s10+$0x440] =	vst v0  }
0x26: {  	[tilespmem:s10+$0x450] =	vst v0  }
0x27: {  	[tilespmem:s10+$0x460] =	vst v0;
	s10 =	sshra.s32 s14, $0x2;
	s14 =	sadd.s32 $0x200, s14  }
0x28: {  	[tilespmem:s10+$0x470] =	vst v0  }
0x29: {  	[tilespmem:s10+$0x400] =	vst v0  }
0x2a: {  	[tilespmem:s10+$0x410] =	vst v0  }
0x2b: {  	[tilespmem:s10+$0x420] =	vst v0  }
0x2c: {  	[tilespmem:s10+$0x430] =	vst v0  }
0x2d: {  	[tilespmem:s10+$0x440] =	vst v0  }
0x2e: {  	[tilespmem:s10+$0x450] =	vst v0  }
0x2f: {  	[tilespmem:s10+$0x460] =	vst v0  }
0x30: {  	[spmem:s13] =	stream.linear.scatter [tilespmem:s16], [sflag:$0xA], $0x4000, $0x38;
	[tilespmem:$0x1C400] =	vst v63  }
0x31: {  	_ =	swait.ge [sflag:s17], $0x4000  }
0x32: {  	[sflag:s17] =	ssyncset.done $0x0  }
0x33: {  	s5 =	rddreg [dreg:$0xc];
	[sflag:s17] =	ssyncadd.s32 $0xFFFFC000  }
0x34: {  	[spmem:s5] =	stream.linear.scatter [tilespmem:s16], [sflag:$0xA], $0x4000, $0x38;
	[tilespmem:$0x1C400] =	vst v63  }
0x35: {  	_ =	swait.ge [sflag:s17], $0x4000  }
0x36: {  	[sflag:s17] =	ssyncset.done $0x0  }
0x37: {  	s14 =	rddreg [dreg:$0xd];
	[sflag:s17] =	ssyncadd.s32 $0xFFFFC000  }
0x38: {  	[spmem:s14] =	stream.linear.scatter [tilespmem:s16], [sflag:$0xA], $0x4000, $0x38;
	[tilespmem:$0x1C400] =	vst v63  }
0x39: {  	_ =	swait.ge [sflag:s17], $0x4000  }
0x3a: {  	[sflag:s17] =	ssyncset.done $0x0  }
0x3b: {  	s15 =	rddreg [dreg:$0xe];
	[sflag:s17] =	ssyncadd.s32 $0xFFFFC000  }
0x3c: {  	[spmem:s15] =	stream.linear.scatter [tilespmem:s16], [sflag:$0xA], $0x4000, $0x38;
	[tilespmem:$0x1C400] =	vst v63  }
0x3d: {  	_ =	swait.ge [sflag:s17], $0x4000  }
0x3e: {  	[sflag:s17] =	ssyncset.done $0x0  }
0x3f: {  	s10 =	rddreg [dreg:$0xf];
	[sflag:s17] =	ssyncadd.s32 $0xFFFFC000  }
0x40: {  	[spmem:s10] =	stream.linear.scatter [tilespmem:s16], [sflag:$0xA], $0x4000, $0x38;
	[tilespmem:$0x1C400] =	vst v63  }
0x41: {  	_ =	swait.ge [sflag:s17], $0x4000  }
0x42: {  	[sflag:s17] =	ssyncset.done $0x0  }
0x43: {  	[sflag:s17] =	ssyncadd.s32 $0xFFFFC000  }
0x44: {  	[bflag:$0x0] =	sbarrier.arrive $0xFFFF  }
0x45: {  	s10 =	simm.s32 $0x0;
	s13 =	rddreg [dreg:$0x10]  }
0x46: {  	[tilespmem:s10], [sflag:$0x1] =	stream.linear.gather [hbm4b:s13+s10], $0x100, $0x38;
	[tilespmem:$0x1C400] =	vst v63  }
0x47: {  	s14 =	rddreg [dreg:$0x11]  }
0x48: {  	[tilespmem:s18], [sflag:$0x2] =	stream.linear.gather [hbm4b:s14+s10], $0x100, $0x38;
	[tilespmem:$0x1C400] =	vst v63  }
0x49: {  	s15 =	rddreg [dreg:$0x12]  }
0x4a: {  	[tilespmem:s19], [sflag:$0x3] =	stream.linear.gather [hbm4b:s15+s10], $0x100, $0x38;
	[tilespmem:$0x1C400] =	vst v63  }
0x4b: {  	_ =	swait.ge [sflag:s20], $0x100  }
0x4c: {  	[sflag:s20] =	ssyncset.done $0x0  }
0x4d: {  	[sflag:s20] =	ssyncadd.s32 $0xFFFFFF00  }
0x4e: {  	[tilespmem:s16], [sflag:$0x5] =	stream.indirect.gather [hbm4b:s0+s21], $0x80, s22, s21, $0xb8;
	[tilespmem:$0x1C400] =	vst v63  }
0x4f: {  	_ = 	snop  }
0x50: {  	[tilespmem:s24], [sflag:$0x7] =	stream.indirect.gather [hbm4b:s0+s21], $0x80, s23, s21, $0xb8;
	[tilespmem:$0x1C400] =	vst v63  }
0x51: {  	_ =	swait.ge [sflag:s25], $0x2000  }
0x52: {  	[sflag:s25] =	ssyncset.done $0x0  }
0x53: {  	[sflag:s25] =	ssyncadd.s32 $0xFFFFE000  }
0x54: {  	_ =	swait.ge [sflag:s26], $0x2000  }
0x55: {  	[sflag:s26] =	ssyncset.done $0x0  }
0x56: {  	[sflag:s26] =	ssyncadd.s32 $0xFFFFE000  }
0x57: {  	_ =	swait.ge [sflag:s28], $0x100  }
0x58: {  	[sflag:s28] =	ssyncset.done $0x0  }
0x59: {  	s13 =	rddreg [dreg:$0x7];
	[sflag:s28] =	ssyncadd.s32 $0xFFFFFF00  }
0x5a: {  	[tilespmem:s29], [sflag:$0x6] =	stream.indirect.gather [hbm4b:s0+s21], $0x80, s13, s21, $0xb8;
	[tilespmem:$0x1C400] =	vst v63  }
0x5b: {  	s14 =	rddreg [dreg:$0x8]  }
0x5c: {  	[tilespmem:s30], [sflag:$0x8] =	stream.indirect.gather [hbm4b:s0+s21], $0x80, s14, s21, $0xb8;
	[tilespmem:$0x1C400] =	vst v63  }
0x5d: {  	s10 =	sadd.s32 $0x0, s11  }
0x5e: {  	[spmem:s3] =	stream.indirect.scatter.add.f32 [tilespmem:s16], [sflag:$0x9], $0x80, s4, s22, $0xb8;
	[tilespmem:$0x1C400] =	vst v63  }
0x5f: {  	s15 =	sadd.s32 $0x60, s10  }
0x60: {  	[tilespmem:s31], [sflag:$0x4] =	stream.linear.gather [hbm4b:s15+s4], $0x100, $0x38;
	[tilespmem:$0x1C400] =	vst v63  }
0x61: {  	_ =	swait.ge [sflag:s1], $0x4000  }
0x62: {  	[sflag:s1] =	ssyncset.done $0x0  }
0x63: {  	[sflag:s1] =	ssyncadd.s32 $0xFFFFC000  }
0x64: {  	_ =	swait.ge [sflag:s2], $0x2000  }
0x65: {  	[sflag:s2] =	ssyncset.done $0x0  }
0x66: {  	[sflag:s2] =	ssyncadd.s32 $0xFFFFE000  }
0x67: {  	_ =	swait.ge [sflag:s6], $0x2000  }
0x68: {  	[sflag:s6] =	ssyncset.done $0x0  }
0x69: {  	[sflag:s6] =	ssyncadd.s32 $0xFFFFE000  }
0x6a: {  	_ =	swait.ge [sflag:s7], $0x100  }
0x6b: {  	[sflag:s7] =	ssyncset.done $0x0  }
0x6c: {  	s5 =	rddreg [dreg:$0x9];
	[sflag:s7] =	ssyncadd.s32 $0xFFFFFF00  }
0x6d: {  	[tilespmem:s16], [sflag:$0x5] =	stream.indirect.gather [hbm4b:s0+s21], $0x80, s5, s21, $0xb8;
	[tilespmem:$0x1C400] =	vst v63  }
0x6e: {  	s15 =	rddreg [dreg:$0xa]  }
0x6f: {  	[tilespmem:s24], [sflag:$0x7] =	stream.indirect.gather [hbm4b:s0+s21], $0x80, s15, s21, $0xb8;
	[tilespmem:$0x1C400] =	vst v63  }
0x70: {  	s13 =	rddreg [dreg:$0x6]  }
0x71: {  	[spmem:s3] =	stream.indirect.scatter.add.f32 [tilespmem:s29], [sflag:$0x9], $0x80, s18, s22, $0xb8;
	[tilespmem:$0x1C400] =	vst v63  }
0x72: {  	s14 =	sadd.s32 $0x0, s13  }
0x73: {  	[tilespmem:s4], [sflag:$0x1] =	stream.linear.gather [hbm4b:s14+s4], $0x100, $0x38;
	[tilespmem:$0x1C400] =	vst v63  }
0x74: {  	_ =	swait.ge [sflag:s1], $0x4000  }
0x75: {  	[sflag:s1] =	ssyncset.done $0x0  }
0x76: {  	[sflag:s1] =	ssyncadd.s32 $0xFFFFC000  }
0x77: {  	_ =	swait.ge [sflag:s25], $0x2000  }
0x78: {  	[sflag:s25] =	ssyncset.done $0x0  }
0x79: {  	[sflag:s25] =	ssyncadd.s32 $0xFFFFE000  }
0x7a: {  	_ =	swait.ge [sflag:s26], $0x2000  }
0x7b: {  	[sflag:s26] =	ssyncset.done $0x0  }
0x7c: {  	[sflag:s26] =	ssyncadd.s32 $0xFFFFE000  }
0x7d: {  	_ =	swait.ge [sflag:s8], $0x100  }
0x7e: {  	[sflag:s8] =	ssyncset.done $0x0  }
0x7f: {  	[sflag:s8] =	ssyncadd.s32 $0xFFFFFF00  }
0x80: {  	[tilespmem:s29], [sflag:$0x6] =	stream.indirect.gather [hbm4b:s0+s21], $0x80, s9, s21, $0xb8;
	[tilespmem:$0x1C400] =	vst v63  }
0x81: {  	_ = 	snop  }
0x82: {  	[tilespmem:s30], [sflag:$0x8] =	stream.indirect.gather [hbm4b:s0+s21], $0x80, s12, s21, $0xb8;
	[tilespmem:$0x1C400] =	vst v63  }
0x83: {  	_ = 	snop  }
0x84: {  	[spmem:s3] =	stream.indirect.scatter.add.f32 [tilespmem:s16], [sflag:$0x9], $0x80, s19, s22, $0xb8;
	[tilespmem:$0x1C400] =	vst v63  }
0x85: {  	s10 =	sadd.s32 $0xA0, s10  }
0x86: {  	[tilespmem:s18], [sflag:$0x2] =	stream.linear.gather [hbm4b:s10+s4], $0x100, $0x38;
	[tilespmem:$0x1C400] =	vst v63  }
0x87: {  	_ =	swait.ge [sflag:s1], $0x4000  }
0x88: {  	[sflag:s1] =	ssyncset.done $0x0  }
0x89: {  	[sflag:s1] =	ssyncadd.s32 $0xFFFFC000  }
0x8a: {  	_ =	swait.ge [sflag:s2], $0x2000  }
0x8b: {  	[sflag:s2] =	ssyncset.done $0x0  }
0x8c: {  	[sflag:s2] =	ssyncadd.s32 $0xFFFFE000  }
0x8d: {  	_ =	swait.ge [sflag:s6], $0x2000  }
0x8e: {  	[sflag:s6] =	ssyncset.done $0x0  }
0x8f: {  	[sflag:s6] =	ssyncadd.s32 $0xFFFFE000  }
0x90: {  	_ =	swait.ge [sflag:s20], $0x100  }
0x91: {  	[sflag:s20] =	ssyncset.done $0x0  }
0x92: {  	[sflag:s20] =	ssyncadd.s32 $0xFFFFFF00  }
0x93: {  	[tilespmem:s16], [sflag:$0x5] =	stream.indirect.gather [hbm4b:s0+s21], $0x80, s22, s21, $0xb8;
	[tilespmem:$0x1C400] =	vst v63  }
0x94: {  	_ = 	snop  }
0x95: {  	[tilespmem:s24], [sflag:$0x7] =	stream.indirect.gather [hbm4b:s0+s21], $0x80, s23, s21, $0xb8;
	[tilespmem:$0x1C400] =	vst v63  }
0x96: {  	s15 =	rddreg [dreg:$0x5]  }
0x97: {  	[spmem:s3] =	stream.indirect.scatter.add.f32 [tilespmem:s29], [sflag:$0x9], $0x80, s31, s22, $0xb8;
	[tilespmem:$0x1C400] =	vst v63  }
0x98: {  	s10 =	sadd.s32 $0x0, s15  }
0x99: {  	[tilespmem:s19], [sflag:$0x3] =	stream.linear.gather [hbm4b:s10+s4], $0x100, $0x38;
	[tilespmem:$0x1C400] =	vst v63  }
0x9a: {  	_ =	swait.ge [sflag:s1], $0x4000  }
0x9b: {  	[sflag:s1] =	ssyncset.done $0x0  }
0x9c: {  	[sflag:s1] =	ssyncadd.s32 $0xFFFFC000  }
0x9d: {  	_ =	swait.ge [sflag:s25], $0x2000  }
0x9e: {  	[sflag:s25] =	ssyncset.done $0x0  }
0x9f: {  	[sflag:s25] =	ssyncadd.s32 $0xFFFFE000  }
0xa0: {  	_ =	swait.ge [sflag:s26], $0x2000  }
0xa1: {  	s14 =	simm.s32 $0x80;
	[sflag:s26] =	ssyncset.done $0x0  }
.LBB2_4:
0xa2: {  	[sflag:s26] =	ssyncadd.s32 $0xFFFFE000  }
0xa3: {  	_ =	swait.ge [sflag:s28], $0x100  }
0xa4: {  	[sflag:s28] =	ssyncset.done $0x0  }
0xa5: {  	s10 =	rddreg [dreg:$0x7];
	[sflag:s28] =	ssyncadd.s32 $0xFFFFFF00  }
0xa6: {  	[tilespmem:s29], [sflag:$0x6] =	stream.indirect.gather [hbm4b:s0+s21], $0x80, s10, s21, $0xb8;
	[tilespmem:$0x1C400] =	vst v63  }
0xa7: {  	s15 =	smov.u32 s14;
	s5 =	rddreg [dreg:$0x8]  }
0xa8: {  	[tilespmem:s30], [sflag:$0x8] =	stream.indirect.gather [hbm4b:s0+s21], $0x80, s5, s21, $0xb8;
	[tilespmem:$0x1C400] =	vst v63  }
0xa9: {  	s10 =	sadd.s32 s15, s11  }
0xaa: {  	[spmem:s3] =	stream.indirect.scatter.add.f32 [tilespmem:s16], [sflag:$0x9], $0x80, s4, s22, $0xb8;
	[tilespmem:$0x1C400] =	vst v63  }
0xab: {  	s13 =	sadd.s32 $0x60, s10  }
0xac: {  	[tilespmem:s31], [sflag:$0x4] =	stream.linear.gather [hbm4b:s13+s4], $0x100, $0x38;
	[tilespmem:$0x1C400] =	vst v63  }
0xad: {  	_ =	swait.ge [sflag:s1], $0x4000  }
0xae: {  	[sflag:s1] =	ssyncset.done $0x0  }
0xaf: {  	[sflag:s1] =	ssyncadd.s32 $0xFFFFC000  }
0xb0: {  	_ =	swait.ge [sflag:s2], $0x2000  }
0xb1: {  	[sflag:s2] =	ssyncset.done $0x0  }
0xb2: {  	[sflag:s2] =	ssyncadd.s32 $0xFFFFE000  }
0xb3: {  	_ =	swait.ge [sflag:s6], $0x2000  }
0xb4: {  	[sflag:s6] =	ssyncset.done $0x0  }
0xb5: {  	[sflag:s6] =	ssyncadd.s32 $0xFFFFE000  }
0xb6: {  	_ =	swait.ge [sflag:s7], $0x100  }
0xb7: {  	[sflag:s7] =	ssyncset.done $0x0  }
0xb8: {  	s5 =	rddreg [dreg:$0x9];
	[sflag:s7] =	ssyncadd.s32 $0xFFFFFF00  }
0xb9: {  	[tilespmem:s16], [sflag:$0x5] =	stream.indirect.gather [hbm4b:s0+s21], $0x80, s5, s21, $0xb8;
	[tilespmem:$0x1C400] =	vst v63  }
0xba: {  	s13 =	rddreg [dreg:$0xa]  }
0xbb: {  	[tilespmem:s24], [sflag:$0x7] =	stream.indirect.gather [hbm4b:s0+s21], $0x80, s13, s21, $0xb8;
	[tilespmem:$0x1C400] =	vst v63  }
0xbc: {  	s5 =	rddreg [dreg:$0x6]  }
0xbd: {  	[spmem:s3] =	stream.indirect.scatter.add.f32 [tilespmem:s29], [sflag:$0x9], $0x80, s18, s22, $0xb8;
	[tilespmem:$0x1C400] =	vst v63  }
0xbe: {  	s5 =	sadd.s32 s15, s5  }
0xbf: {  	[tilespmem:s4], [sflag:$0x1] =	stream.linear.gather [hbm4b:s5+s4], $0x100, $0x38;
	[tilespmem:$0x1C400] =	vst v63  }
0xc0: {  	_ =	swait.ge [sflag:s1], $0x4000  }
0xc1: {  	[sflag:s1] =	ssyncset.done $0x0  }
0xc2: {  	[sflag:s1] =	ssyncadd.s32 $0xFFFFC000  }
0xc3: {  	_ =	swait.ge [sflag:s25], $0x2000  }
0xc4: {  	[sflag:s25] =	ssyncset.done $0x0  }
0xc5: {  	[sflag:s25] =	ssyncadd.s32 $0xFFFFE000  }
0xc6: {  	_ =	swait.ge [sflag:s26], $0x2000  }
0xc7: {  	[sflag:s26] =	ssyncset.done $0x0  }
0xc8: {  	[sflag:s26] =	ssyncadd.s32 $0xFFFFE000  }
0xc9: {  	_ =	swait.ge [sflag:s8], $0x100  }
0xca: {  	[sflag:s8] =	ssyncset.done $0x0  }
0xcb: {  	[sflag:s8] =	ssyncadd.s32 $0xFFFFFF00  }
0xcc: {  	[tilespmem:s29], [sflag:$0x6] =	stream.indirect.gather [hbm4b:s0+s21], $0x80, s9, s21, $0xb8;
	[tilespmem:$0x1C400] =	vst v63  }
0xcd: {  	_ = 	snop  }
0xce: {  	[tilespmem:s30], [sflag:$0x8] =	stream.indirect.gather [hbm4b:s0+s21], $0x80, s12, s21, $0xb8;
	[tilespmem:$0x1C400] =	vst v63  }
0xcf: {  	_ = 	snop  }
0xd0: {  	[spmem:s3] =	stream.indirect.scatter.add.f32 [tilespmem:s16], [sflag:$0x9], $0x80, s19, s22, $0xb8;
	[tilespmem:$0x1C400] =	vst v63  }
0xd1: {  	s10 =	sadd.s32 $0xA0, s10  }
0xd2: {  	[tilespmem:s18], [sflag:$0x2] =	stream.linear.gather [hbm4b:s10+s4], $0x100, $0x38;
	[tilespmem:$0x1C400] =	vst v63  }
0xd3: {  	_ =	swait.ge [sflag:s1], $0x4000  }
0xd4: {  	[sflag:s1] =	ssyncset.done $0x0  }
0xd5: {  	[sflag:s1] =	ssyncadd.s32 $0xFFFFC000  }
0xd6: {  	_ =	swait.ge [sflag:s2], $0x2000  }
0xd7: {  	[sflag:s2] =	ssyncset.done $0x0  }
0xd8: {  	[sflag:s2] =	ssyncadd.s32 $0xFFFFE000  }
0xd9: {  	_ =	swait.ge [sflag:s6], $0x2000  }
0xda: {  	[sflag:s6] =	ssyncset.done $0x0  }
0xdb: {  	[sflag:s6] =	ssyncadd.s32 $0xFFFFE000  }
0xdc: {  	_ =	swait.ge [sflag:s20], $0x100  }
0xdd: {  	[sflag:s20] =	ssyncset.done $0x0  }
0xde: {  	[sflag:s20] =	ssyncadd.s32 $0xFFFFFF00  }
0xdf: {  	[tilespmem:s16], [sflag:$0x5] =	stream.indirect.gather [hbm4b:s0+s21], $0x80, s22, s21, $0xb8;
	[tilespmem:$0x1C400] =	vst v63  }
0xe0: {  	_ = 	snop  }
0xe1: {  	[tilespmem:s24], [sflag:$0x7] =	stream.indirect.gather [hbm4b:s0+s21], $0x80, s23, s21, $0xb8;
	[tilespmem:$0x1C400] =	vst v63  }
0xe2: {  	s13 =	rddreg [dreg:$0x5]  }
0xe3: {  	[spmem:s3] =	stream.indirect.scatter.add.f32 [tilespmem:s29], [sflag:$0x9], $0x80, s31, s22, $0xb8;
	[tilespmem:$0x1C400] =	vst v63  }
0xe4: {  	s5 =	sadd.s32 s15, s13  }
0xe5: {  	[tilespmem:s19], [sflag:$0x3] =	stream.linear.gather [hbm4b:s5+s4], $0x100, $0x38;
	[tilespmem:$0x1C400] =	vst v63  }
0xe6: {  	_ =	swait.ge [sflag:s1], $0x4000  }
0xe7: {  	[sflag:s1] =	ssyncset.done $0x0  }
0xe8: {  	p0 =	sne.s32 s14, $0x980;
	[sflag:s1] =	ssyncadd.s32 $0xFFFFC000  }
.Ltmp1:
0xe9: {  	_ =	swait.ge [sflag:s25], $0x2000;
	(pc) =	sbr.rel @p0 .LBB2_4-.Ltmp1, $4  }
0xea: {  	[sflag:s25] =	ssyncset.done $0x0  }
0xeb: {  	[sflag:s25] =	ssyncadd.s32 $0xFFFFE000  }
0xec: {  	_ =	swait.ge [sflag:s26], $0x2000  }
0xed: {  	s14 =	sadd.s32 $0x80, s14;
	[sflag:s26] =	ssyncset.done $0x0  }
0xee: {  	[sflag:s26] =	ssyncadd.s32 $0xFFFFE000  }
0xef: {  	_ =	swait.ge [sflag:s28], $0x100  }
0xf0: {  	[sflag:s28] =	ssyncset.done $0x0  }
0xf1: {  	[sflag:s28] =	ssyncadd.s32 $0xFFFFFF00  }
0xf2: {  	_ =	swait.ge [sflag:s7], $0x100  }
0xf3: {  	[sflag:s7] =	ssyncset.done $0x0  }
0xf4: {  	[sflag:s7] =	ssyncadd.s32 $0xFFFFFF00  }
0xf5: {  	s5 =	stileid.u32;
	[bflag:$0x0] =	sbarrier.arrive $0xFFFF  }
0xf6: {  	s5 =	sshll.u32 s5, $0x6;
	s13 =	rddreg [dreg:$0xb]  }
0xf7: {  	s5 =	sor.u32 $0x1C0A, s5;
	s14 =	rddreg [dreg:$0x13];
	s10 =	sshrl.u32 s13, $0x3  }
0xf8: {  	[hbm:s14], [sflag:s5] =	dma.local [spmem:s10], $0x2800  }
0xf9: {  	_ =	swait.ge [sflag:s17], $0x2800  }
0xfa: {  	s14 =	rddreg [dreg:$0x15]  }
0xfb: {  	s15 =	rddreg [dreg:$0x14];
	s10 =	sadd.s32 $0x1, s14  }
0xfc: {  	p0 =	sne.s32 s10, s15  }
.Ltmp2:
0xfd: {  	_ = 	snop;
	(pc) =	sbr.rel @p0 .LBB2_1-.Ltmp2, $3  }
0xfe: {  	_ =	sdelay $0x1  }
0xff: {  	[sflag:s17] =	ssyncset.done $0x0  }
0x100: {  	[sflag:s17] =	ssyncadd.s32 $0xFFFFD800  }
0x101: {  	_ =	sfence.sel $0x180000  }
0x102: {  	[bflag:$0x0] =	sbarrier.arrive $0xFFFF  }
0x103: {  	_ =	strace $0x90000047  }
0x104: {  	s0 =	stileid.u32;
	[bflag:$0x2] =	sbarrier.arrive $0xFFFF  }
0x105: {  	p0 =	sne.s32 s0, $0x0;
	s0 =	rddreg [dreg:$0x4]  }
0x106: {  	s0 =	sadd.s32 @!p0 $0x100000, s0  }
0x107: {  	[sflag:s0] =	ssyncadd.tile.s32 @!p0 $0x1;
	_ =	shalt  }
.Lfunc_end2:
_tile_overlayer_lowered:
.L_overlay_start_2:
0x108: {  	(tag) =	ssettag $0x2  }
0x109: {  	s0 =	rddreg [dreg:$0x0];
	s2 =	stileid.u32  }
0x10a: {  	s1 =	rddreg [dreg:$0x1];
	p0 =	sne.s32 s2, $0x0  }
0x10b: {  	s3 =	rddreg [dreg:$0x2];
	[bflag:$0x3] =	sbarrier.arrive $0xFFFF;
	s2 =	simm.s32 @!p0 $0x1C0A  }
0x10c: {  	[timem:s3], [sflag:s2] =	dma.local @!p0 [hbm:s0], s1  }
0x10d: {  	s0 =	simm.s32 @!p0 $0xA  }
0x10e: {  	_ =	swait.ge @!p0 [sflag:s0], s1  }
0x10f: {  	s1 =	ssub.s32 @!p0 $0x0, s1;
	[sflag:s0] =	ssyncset.done @!p0 $0x0  }
0x110: {  	[sflag:s0] =	ssyncadd.s32 @!p0 s1  }
0x111: {  	[bflag:$0x3] =	sbarrier.arrive $0xFFFF  }
0x112: {  	_ =	shalt  }

</sc_bundles>
